<compile_context>
chip_gen: v7x
topology: tpu7x:2x2x1
jax: 0.10.2.dev20260603
libtpu: 0.0.44.dev20260713+nightly
codegen_flags: <defaults>
</compile_context>

<pallas_src>
import functools

import jax
import jax.numpy as jnp
from jax import lax
from jax.experimental import pallas as pl
from jax.experimental.pallas import tpu as pltpu
from jax.experimental.pallas import tpu_sc as plsc

N_ATOM = 10000
E_ATOM = 320000
HID = 128
NGRAPH = 64
NLAYERS = 2

_BR = 2000
_NW = 32
_EPW = E_ATOM // _NW
_B = 40
_NBLK = _EPW // _B
_NPAD = 10240
_RPT = _NPAD // 16




def _mm_body(x_ref, w_ref, b_ref, out_ref):
    out_ref[...] = (
        jnp.dot(x_ref[...], w_ref[...], preferred_element_type=jnp.float32)
        + b_ref[...]
    )


def _mm(x, w, b):
    r, k = x.shape
    f = w.shape[1]
    return pl.pallas_call(
        _mm_body,
        grid=(r // _BR,),
        in_specs=[
            pl.BlockSpec((_BR, k), lambda i: (i, 0)),
            pl.BlockSpec((k, f), lambda i: (0, 0)),
            pl.BlockSpec((1, f), lambda i: (0, 0)),
        ],
        out_specs=pl.BlockSpec((_BR, f), lambda i: (i, 0)),
        out_shape=jax.ShapeDtypeStruct((r, f), jnp.float32),
    )(x, w, b[None, :])


def _add3_body(a_ref, b_ref, c_ref, out_ref):
    out_ref[...] = a_ref[...] + b_ref[...] + c_ref[...]


def _add3(a, b, c):
    r, f = a.shape
    return pl.pallas_call(
        _add3_body,
        grid=(r // _BR,),
        in_specs=[pl.BlockSpec((_BR, f), lambda i: (i, 0))] * 3,
        out_specs=pl.BlockSpec((_BR, f), lambda i: (i, 0)),
        out_shape=jax.ShapeDtypeStruct((r, f), jnp.float32),
    )(a, b, c)


def _pool_body(h_ref, batch_ref, sums_ref, cnt_ref):
    i = pl.program_id(0)

    @pl.when(i == 0)
    def _():
        sums_ref[...] = jnp.zeros_like(sums_ref)
        cnt_ref[...] = jnp.zeros_like(cnt_ref)

    b = batch_ref[0]
    ids = lax.broadcasted_iota(jnp.int32, (NGRAPH, _BR), 0)
    oh = (b == ids).astype(jnp.float32)
    sums_ref[...] += jnp.dot(oh, h_ref[...],
                             preferred_element_type=jnp.float32,
                             precision=lax.Precision.HIGHEST)
    cnt_ref[...] += jnp.sum(oh, axis=1, keepdims=True)


def _pool(h, batch3):
    return pl.pallas_call(
        _pool_body,
        grid=(N_ATOM // _BR,),
        in_specs=[
            pl.BlockSpec((_BR, HID), lambda i: (i, 0)),
            pl.BlockSpec((1, 1, _BR), lambda i: (i, 0, 0)),
        ],
        out_specs=[
            pl.BlockSpec((NGRAPH, HID), lambda i: (0, 0)),
            pl.BlockSpec((NGRAPH, 1), lambda i: (0, 0)),
        ],
        out_shape=[
            jax.ShapeDtypeStruct((NGRAPH, HID), jnp.float32),
            jax.ShapeDtypeStruct((NGRAPH, 1), jnp.float32),
        ],
    )(h, batch3)


def _mlp_body(sums_ref, cnt_ref, w1_ref, b1_ref, w2_ref, b2_ref, out_ref):
    pooled = sums_ref[...] / jnp.maximum(cnt_ref[...], 1.0)
    hid = jnp.maximum(pooled @ w1_ref[...] + b1_ref[...], 0.0)
    out_ref[...] = hid @ w2_ref[...] + b2_ref[...]


def _final_mlp(sums, cnt, w1, b1, w2, b2):
    return pl.pallas_call(
        _mlp_body,
        out_shape=jax.ShapeDtypeStruct((NGRAPH, w2.shape[1]), jnp.float32),
    )(sums, cnt, w1, b1[None, :], w2, b2[None, :])




_CB = 25
_NCHUNK = _NBLK // _CB

_GB = 80
_GNBLK = _EPW // _GB
_GNCH = 5
_SB = 80
_SNBLK = _EPW // _SB
_SNCH = 5


def _gather_sc(xn, xej, xg, xei, src4, dst4):
    mesh = plsc.VectorSubcoreMesh(core_axis_name="c", subcore_axis_name="s")
    out1 = jax.ShapeDtypeStruct((E_ATOM, HID), jnp.float32)

    @functools.partial(
        pl.kernel,
        mesh=mesh,
        out_type=(out1, out1, out1, out1),
        scratch_types=[
            pltpu.VMEM((32, _GB), jnp.int32),
            pltpu.VMEM((32, _GB), jnp.int32),
            pltpu.VMEM((_GB, HID), jnp.float32),
            pltpu.VMEM((_GB, HID), jnp.float32),
            pltpu.VMEM((_GB, HID), jnp.float32),
            pltpu.VMEM((_GB, HID), jnp.float32),
        ] + [pltpu.SemaphoreType.DMA] * 8,
    )
    def k(xn_hbm, xej_hbm, xg_hbm, xei_hbm, s4_hbm, d4_hbm,
          gn_out, gj_out, gg_out, gi_out, sic, dic, nv, jv, gv, iv,
          g0, g1, g2, g3, w0, w1, w2, w3):
        cid = lax.axis_index("c")
        sid = lax.axis_index("s")
        wid = sid * 2 + cid

        def chunk(c, carry):
            crow = wid * _GNBLK + c * _CB
            pltpu.sync_copy(s4_hbm.at[wid, c], sic)
            pltpu.sync_copy(d4_hbm.at[wid, c], dic)

            def block(b, carry2):
                base = (crow + b) * _GB
                si = sic.at[b]
                di = dic.at[b]

                @pl.when((c > 0) | (b > 0))
                def _():
                    pltpu.make_async_copy(
                        nv, gn_out.at[pl.ds(base, _GB)], w0).wait()
                    pltpu.make_async_copy(
                        jv, gj_out.at[pl.ds(base, _GB)], w1).wait()
                    pltpu.make_async_copy(
                        gv, gg_out.at[pl.ds(base, _GB)], w2).wait()
                    pltpu.make_async_copy(
                        iv, gi_out.at[pl.ds(base, _GB)], w3).wait()

                cp0 = pltpu.async_copy(xn_hbm.at[si], nv, g0)
                cp1 = pltpu.async_copy(xej_hbm.at[si], jv, g1)
                cp2 = pltpu.async_copy(xg_hbm.at[di], gv, g2)
                cp3 = pltpu.async_copy(xei_hbm.at[di], iv, g3)
                cp0.wait()
                cp1.wait()
                cp2.wait()
                cp3.wait()
                pltpu.async_copy(nv, gn_out.at[pl.ds(base, _GB)], w0)
                pltpu.async_copy(jv, gj_out.at[pl.ds(base, _GB)], w1)
                pltpu.async_copy(gv, gg_out.at[pl.ds(base, _GB)], w2)
                pltpu.async_copy(iv, gi_out.at[pl.ds(base, _GB)], w3)
                return carry2

            lax.fori_loop(0, _CB, block, 0)
            return carry

        lax.fori_loop(0, _GNCH, chunk, 0)
        last = (wid + 1) * _EPW - _GB
        pltpu.make_async_copy(nv, gn_out.at[pl.ds(last, _GB)], w0).wait()
        pltpu.make_async_copy(jv, gj_out.at[pl.ds(last, _GB)], w1).wait()
        pltpu.make_async_copy(gv, gg_out.at[pl.ds(last, _GB)], w2).wait()
        pltpu.make_async_copy(iv, gi_out.at[pl.ds(last, _GB)], w3).wait()

    return k(xn, xej, xg, xei, src4, dst4)


def _scatter_sc(msg, dst5, zeros):
    mesh = plsc.VectorSubcoreMesh(core_axis_name="c", subcore_axis_name="s")

    @functools.partial(
        pl.kernel,
        mesh=mesh,
        out_type=jax.ShapeDtypeStruct((2, _NPAD, HID), jnp.float32),
        scratch_types=[
            pltpu.VMEM((32, _SB), jnp.int32),
            pltpu.VMEM((_SB, HID), jnp.float32),
            pltpu.VMEM_SHARED((_NPAD, HID), jnp.float32),
            pltpu.SemaphoreType.DMA,
        ],
    )
    def k(msg_hbm, d5_hbm, z_hbm, p_out, dic, mv, acc, sems):
        cid = lax.axis_index("c")
        sid = lax.axis_index("s")
        wid = sid * 2 + cid

        pltpu.sync_copy(z_hbm.at[pl.ds(sid * _RPT, _RPT)],
                        acc.at[pl.ds(sid * _RPT, _RPT)])
        plsc.subcore_barrier()

        def chunk(c, carry):
            crow = wid * _SNBLK + c * _CB

            @pl.when(c > 0)
            def _():
                pltpu.make_async_copy(mv, acc.at[dic.at[_CB - 1]],
                                      sems).wait()

            pltpu.sync_copy(d5_hbm.at[wid, c], dic)

            def block(b, carry2):
                base = (crow + b) * _SB
                di = dic.at[b]

                @pl.when(b > 0)
                def _():
                    pltpu.make_async_copy(mv, acc.at[di], sems).wait()

                pltpu.sync_copy(msg_hbm.at[pl.ds(base, _SB)], mv)
                pltpu.async_copy(mv, acc.at[di], sems, add=True)
                return carry2

            lax.fori_loop(0, _CB, block, 0)
            return carry

        lax.fori_loop(0, _SNCH, chunk, 0)
        pltpu.make_async_copy(mv, acc.at[dic.at[_CB - 1]], sems).wait()
        plsc.subcore_barrier()
        pltpu.sync_copy(acc.at[pl.ds(sid * _RPT, _RPT)],
                        p_out.at[cid, pl.ds(sid * _RPT, _RPT)])

    return k(msg, dst5, zeros)


_EB = 2000


def _edge_tc_body(gn_ref, gj_ref, gg_ref, gi_ref, e_ref,
                  nw_ref, gw_ref, ew_ref, nb_ref, gb_ref, eb_ref,
                  msg_ref, en_ref):
    ev = e_ref[...]
    un = jnp.dot(ev, nw_ref[...], preferred_element_type=jnp.float32)
    ug = jnp.dot(ev, gw_ref[...], preferred_element_type=jnp.float32)
    ue = jnp.dot(ev, ew_ref[...], preferred_element_type=jnp.float32)
    gate = jax.nn.sigmoid(gg_ref[...] + ug + gb_ref[...])
    msg_ref[...] = gate * (gn_ref[...] + un + nb_ref[...])
    en_ref[...] = gj_ref[...] + gi_ref[...] + ue + eb_ref[...] + ev


def _edge_tc(gn, gj, gg, gi, e, nw, gw, ew, nb, gb, eb):
    out1 = jax.ShapeDtypeStruct((E_ATOM, HID), jnp.float32)
    blk = pl.BlockSpec((_EB, HID), lambda i: (i, 0))
    wspec = pl.BlockSpec((HID, HID), lambda i: (0, 0))
    bspec = pl.BlockSpec((1, HID), lambda i: (0, 0))
    return pl.pallas_call(
        _edge_tc_body,
        grid=(E_ATOM // _EB,),
        in_specs=[blk, blk, blk, blk, blk, wspec, wspec, wspec,
                  bspec, bspec, bspec],
        out_specs=[blk, blk],
        out_shape=[out1, out1],
    )(gn, gj, gg, gi, e, nw, gw, ew, nb[None, :], gb[None, :], eb[None, :])




def kernel(atom_x, atom_edge_index, atom_edge_attr, atom_batch, line_x,
           line_edge_index, line_edge_attr, node_embed_W, node_embed_b,
           edge_embed_W, edge_embed_b, line_edge_embed_W, line_edge_embed_b,
           atom_node_W, atom_node_b, atom_edgemlp_W, atom_edgemlp_b,
           atom_gate_W, atom_gate_b, line_node_W, line_node_b,
           line_edgemlp_W, line_edgemlp_b, line_gate_W, line_gate_b,
           mlp_W1, mlp_b1, mlp_W2, mlp_b2):
    def _idx4(v, nch, bb):
        v4 = v.reshape(_NW, nch, _CB, bb)
        return jnp.pad(v4, ((0, 0), (0, 0), (0, 32 - _CB), (0, 0)))

    src4 = _idx4(atom_edge_index[0], _GNCH, _GB)
    dst4 = _idx4(atom_edge_index[1], _GNCH, _GB)
    dst5 = _idx4(atom_edge_index[1], _SNCH, _SB)
    zeros = jnp.zeros((_NPAD, HID), jnp.float32)
    batch3 = atom_batch.reshape(N_ATOM // _BR, 1, _BR).astype(jnp.int32)

    h = _mm(atom_x, node_embed_W, node_embed_b)
    e = _mm(atom_edge_attr, edge_embed_W, edge_embed_b)

    zb = jnp.zeros((HID,), jnp.float32)
    for k in range(NLAYERS):
        nW, nb = atom_node_W[k], atom_node_b[k]
        eW, eb = atom_edgemlp_W[k], atom_edgemlp_b[k]
        gW, gb = atom_gate_W[k], atom_gate_b[k]

        xn = _mm(h, nW[:HID], zb)
        xej = _mm(h, eW[:HID], zb)
        xg = _mm(h, gW[:HID], zb)
        xei = _mm(h, eW[HID:2 * HID], zb)
        gn, gj, gg, gi = _gather_sc(xn, xej, xg, xei, src4, dst4)
        msg, e = _edge_tc(gn, gj, gg, gi, e,
                          nW[HID:], gW[HID:], eW[2 * HID:], nb, gb, eb)
        p = _scatter_sc(msg, dst5, zeros)
        h = _add3(h, p[0, :N_ATOM], p[1, :N_ATOM])

    sums, cnt = _pool(h, batch3)
    return _final_mlp(sums, cnt, mlp_W1, mlp_b1, mlp_W2, mlp_b2)

# --- scband reference (transcript-rebuilt; emitter-appended) ---
"""Pipeline reference for scband-lohcgnn-for-mp-bp-32315333935677 (READ-ONLY COPY).

The authoritative reference and input builder live on the scoring server;
editing this copy changes nothing except your own understanding.
"""

import jax, jax.numpy as jnp
import numpy as np

N_ATOM = 10000
E_ATOM = 320000
E_LINE = 500000
HID = 128
NODE_IN = 128
EDGE_IN = 16
LEDGE_IN = 16
NLAYERS = 2
NGRAPH = 64
OUT = 1


def _lin(k, fin, fout):
    return (jax.random.normal(k, (fin, fout), jnp.float32) / np.sqrt(fin)).astype(jnp.float32)


def _lin_stack(k, L, fin, fout):
    return (jax.random.normal(k, (L, fin, fout), jnp.float32) / np.sqrt(fin)).astype(jnp.float32)


def setup_inputs(seed: int = 0):
    key = jax.random.key(seed)
    ks = jax.random.split(key, 24)
    inp = {}
    inp["atom_x"] = jax.random.normal(ks[0], (N_ATOM, NODE_IN), jnp.float32)
    inp["atom_edge_index"] = jax.random.randint(ks[1], (2, E_ATOM), 0, N_ATOM)
    inp["atom_edge_attr"] = jax.random.normal(ks[2], (E_ATOM, EDGE_IN), jnp.float32)
    inp["atom_batch"] = jnp.sort(jax.random.randint(ks[3], (N_ATOM,), 0, NGRAPH))
    inp["line_x"] = jax.random.normal(ks[4], (E_ATOM, EDGE_IN), jnp.float32)
    inp["line_edge_index"] = jax.random.randint(ks[5], (2, E_LINE), 0, E_ATOM)
    inp["line_edge_attr"] = jax.random.normal(ks[6], (E_LINE, LEDGE_IN), jnp.float32)
    inp["node_embed_W"] = _lin(ks[7], NODE_IN, HID)
    inp["node_embed_b"] = jnp.zeros((HID,), jnp.float32)
    inp["edge_embed_W"] = _lin(ks[8], EDGE_IN, HID)
    inp["edge_embed_b"] = jnp.zeros((HID,), jnp.float32)
    inp["line_edge_embed_W"] = _lin(ks[9], LEDGE_IN, HID)
    inp["line_edge_embed_b"] = jnp.zeros((HID,), jnp.float32)
    inp["atom_node_W"] = _lin_stack(ks[10], NLAYERS, 2 * HID, HID)
    inp["atom_node_b"] = jnp.zeros((NLAYERS, HID), jnp.float32)
    inp["atom_edgemlp_W"] = _lin_stack(ks[11], NLAYERS, 3 * HID, HID)
    inp["atom_edgemlp_b"] = jnp.zeros((NLAYERS, HID), jnp.float32)
    inp["atom_gate_W"] = _lin_stack(ks[12], NLAYERS, 2 * HID, HID)
    inp["atom_gate_b"] = jnp.zeros((NLAYERS, HID), jnp.float32)
    inp["line_node_W"] = _lin_stack(ks[13], NLAYERS, 2 * HID, HID)
    inp["line_node_b"] = jnp.zeros((NLAYERS, HID), jnp.float32)
    inp["line_edgemlp_W"] = _lin_stack(ks[14], NLAYERS, 3 * HID, HID)
    inp["line_edgemlp_b"] = jnp.zeros((NLAYERS, HID), jnp.float32)
    inp["line_gate_W"] = _lin_stack(ks[15], NLAYERS, 2 * HID, HID)
    inp["line_gate_b"] = jnp.zeros((NLAYERS, HID), jnp.float32)
    inp["mlp_W1"] = _lin(ks[16], HID, HID)
    inp["mlp_b1"] = jnp.zeros((HID,), jnp.float32)
    inp["mlp_W2"] = _lin(ks[17], HID, OUT)
    inp["mlp_b2"] = jnp.zeros((OUT,), jnp.float32)
    return inp


def _conv(x, edge_index, edge_attr, nW, nb, eW, eb, gW, gb, num_nodes):
    src = edge_index[0]
    dst = edge_index[1]
    x_j = x[src]
    x_i = x[dst]
    gate = jax.nn.sigmoid(jnp.concatenate([x_i, edge_attr], axis=-1) @ gW + gb)
    msg = gate * (jnp.concatenate([x_j, edge_attr], axis=-1) @ nW + nb)
    aggr = jax.ops.segment_sum(msg, dst, num_segments=num_nodes)
    new_e = jnp.concatenate([x_j, x_i, edge_attr], axis=-1) @ eW + eb
    return aggr, new_e


def reference(atom_x, atom_edge_index, atom_edge_attr, atom_batch, line_x, line_edge_index, line_edge_attr, node_embed_W, node_embed_b, edge_embed_W, edge_embed_b, line_edge_embed_W, line_edge_embed_b, atom_node_W, atom_node_b, atom_edgemlp_W, atom_edgemlp_b, atom_gate_W, atom_gate_b, line_node_W, line_node_b, line_edgemlp_W, line_edgemlp_b, line_gate_W, line_gate_b, mlp_W1, mlp_b1, mlp_W2, mlp_b2):
    h = atom_x @ node_embed_W + node_embed_b
    e = atom_edge_attr @ edge_embed_W + edge_embed_b
    l = line_x @ edge_embed_W + edge_embed_b
    le = line_edge_attr @ line_edge_embed_W + line_edge_embed_b
    for k in range(NLAYERS):
        l_up, le_up = _conv(l, line_edge_index, le, line_node_W[k], line_node_b[k], line_edgemlp_W[k], line_edgemlp_b[k], line_gate_W[k], line_gate_b[k], E_ATOM)
        h_up, e_up = _conv(h, atom_edge_index, e, atom_node_W[k], atom_node_b[k], atom_edgemlp_W[k], atom_edgemlp_b[k], atom_gate_W[k], atom_gate_b[k], N_ATOM)
        h = h + h_up
        e = e + e_up
        l = l + l_up
        le = le + le_up
    sums = jax.ops.segment_sum(h, atom_batch, num_segments=NGRAPH)
    cnt = jax.ops.segment_sum(jnp.ones((h.shape[0], 1), jnp.float32), atom_batch, num_segments=NGRAPH)
    pooled = sums / jnp.maximum(cnt, 1.0)
    hid = jax.nn.relu(pooled @ mlp_W1 + mlp_b1)
    return hid @ mlp_W2 + mlp_b2

if __name__ == "__main__":
    import jax
    _d = setup_inputs()
    print(jax.jit(kernel)(*tuple(_d.values())))

</pallas_src>

<mosaic_0001>
#map = affine_map<(d0, d1) -> (0, 0)>
#map1 = affine_map<(d0, d1) -> (0, 0, 0, 0)>
module attributes {stable_mosaic.version = 14 : i64} {
  func.func @k(%arg0: i32, %arg1: i32, %arg2: memref<10000x128xf32, #tpu.memory_space<hbm>>, %arg3: memref<10000x128xf32, #tpu.memory_space<hbm>>, %arg4: memref<10000x128xf32, #tpu.memory_space<hbm>>, %arg5: memref<10000x128xf32, #tpu.memory_space<hbm>>, %arg6: memref<32x5x32x80xi32, #tpu.memory_space<hbm>>, %arg7: memref<32x5x32x80xi32, #tpu.memory_space<hbm>>, %arg8: memref<320000x128xf32, #tpu.memory_space<hbm>>, %arg9: memref<320000x128xf32, #tpu.memory_space<hbm>>, %arg10: memref<320000x128xf32, #tpu.memory_space<hbm>>, %arg11: memref<320000x128xf32, #tpu.memory_space<hbm>>, %arg12: memref<32x80xi32, #tpu.memory_space<vmem>>, %arg13: memref<32x80xi32, #tpu.memory_space<vmem>>, %arg14: memref<80x128xf32, #tpu.memory_space<vmem>>, %arg15: memref<80x128xf32, #tpu.memory_space<vmem>>, %arg16: memref<80x128xf32, #tpu.memory_space<vmem>>, %arg17: memref<80x128xf32, #tpu.memory_space<vmem>>, %arg18: memref<!tpu.dma_semaphore, #tpu.memory_space<semaphore_mem>>, %arg19: memref<!tpu.dma_semaphore, #tpu.memory_space<semaphore_mem>>, %arg20: memref<!tpu.dma_semaphore, #tpu.memory_space<semaphore_mem>>, %arg21: memref<!tpu.dma_semaphore, #tpu.memory_space<semaphore_mem>>, %arg22: memref<!tpu.dma_semaphore, #tpu.memory_space<semaphore_mem>>, %arg23: memref<!tpu.dma_semaphore, #tpu.memory_space<semaphore_mem>>, %arg24: memref<!tpu.dma_semaphore, #tpu.memory_space<semaphore_mem>>, %arg25: memref<!tpu.dma_semaphore, #tpu.memory_space<semaphore_mem>>) attributes {dimension_semantics = [#tpu.dimension_semantics<core_parallel>, #tpu.dimension_semantics<subcore_parallel>], iteration_bounds = array<i64: 2, 16>, scalar_prefetch = 0 : i64, scratch_operands = 14 : i64, tpu.core_type = #tpu.core_type<sc_vector_subcore>, window_params = [{transform_indices = #map}, {transform_indices = #map}, {transform_indices = #map}, {transform_indices = #map}, {transform_indices = #map1}, {transform_indices = #map1}, {transform_indices = #map}, {transform_indices = #map}, {transform_indices = #map}, {transform_indices = #map}]} {
    %mul3A = arith.constant 2 : i32
    %mul3A_0 = arith.muli %arg1, %mul3A : i32
    %add3A = arith.addi %mul3A_0, %arg0 : i32
    %scan3A = arith.constant 0 : i32
    %scan3A_1 = arith.constant 0 : i32
    %scan3A_2 = arith.constant 5 : i32
    %scan3A_3 = arith.addi %scan3A_1, %scan3A_2 : i32
    %scan3A_4 = arith.constant 1 : i32
    scf.for %scan3A_26 = %scan3A_1 to %scan3A_3 step %scan3A_4  : i32 {
      %mul3A_27 = arith.constant 125 : i32
      %mul3A_28 = arith.muli %add3A, %mul3A_27 : i32
      %mul3A_29 = arith.constant 25 : i32
      %mul3A_30 = arith.muli %scan3A_26, %mul3A_29 : i32
      %add3A_31 = arith.addi %mul3A_28, %mul3A_30 : i32
      "tpu.region"() ({
        %run_scoped3A = tpu.sem_alloc : memref<!tpu.dma_semaphore, #tpu.memory_space<semaphore_mem>>
        %dma_start3A = arith.constant 0 : i32
        %dma_start3A_38 = arith.constant 0 : i32
        %dma_start3A_39 = tpu.memref_slice %arg6[%add3A, %scan3A_26, %dma_start3A, %dma_start3A_38] : memref<32x5x32x80xi32, #tpu.memory_space<hbm>> -> memref<1x1x32x80xi32, #tpu.memory_space<hbm>>
        %dma_start3A_40 = tpu.memref_squeeze %dma_start3A_39 : memref<1x1x32x80xi32, #tpu.memory_space<hbm>> -> memref<32x80xi32, #tpu.memory_space<hbm>>
        %dma_start3A_41 = arith.constant 0 : i32
        %dma_start3A_42 = arith.constant 0 : i32
        %dma_start3A_43 = tpu.memref_slice %arg6[%add3A, %scan3A_26, %dma_start3A_41, %dma_start3A_42] : memref<32x5x32x80xi32, #tpu.memory_space<hbm>> -> memref<1x1x32x80xi32, #tpu.memory_space<hbm>>
        %dma_start3A_44 = tpu.memref_squeeze %dma_start3A_43 : memref<1x1x32x80xi32, #tpu.memory_space<hbm>> -> memref<32x80xi32, #tpu.memory_space<hbm>>
        tpu.enqueue_dma source(%dma_start3A_44 : memref<32x80xi32, #tpu.memory_space<hbm>>) target(%arg12 : memref<32x80xi32, #tpu.memory_space<vmem>>) target_semaphore(%run_scoped3A : memref<!tpu.dma_semaphore, #tpu.memory_space<semaphore_mem>>)
        %dma_wait3A_45 = arith.constant 0 : i32
        %dma_wait3A_46 = arith.constant 0 : i32
        %dma_wait3A_47 = tpu.memref_slice %arg6[%add3A, %scan3A_26, %dma_wait3A_45, %dma_wait3A_46] : memref<32x5x32x80xi32, #tpu.memory_space<hbm>> -> memref<1x1x32x80xi32, #tpu.memory_space<hbm>>
        %dma_wait3A_48 = tpu.memref_squeeze %dma_wait3A_47 : memref<1x1x32x80xi32, #tpu.memory_space<hbm>> -> memref<32x80xi32, #tpu.memory_space<hbm>>
        %dma_wait3A_49 = arith.constant 0 : i32
        %dma_wait3A_50 = arith.constant 0 : i32
        %dma_wait3A_51 = tpu.memref_slice %arg6[%add3A, %scan3A_26, %dma_wait3A_49, %dma_wait3A_50] : memref<32x5x32x80xi32, #tpu.memory_space<hbm>> -> memref<1x1x32x80xi32, #tpu.memory_space<hbm>>
        %dma_wait3A_52 = tpu.memref_squeeze %dma_wait3A_51 : memref<1x1x32x80xi32, #tpu.memory_space<hbm>> -> memref<32x80xi32, #tpu.memory_space<hbm>>
        tpu.wait_dma2 semaphore(%run_scoped3A : memref<!tpu.dma_semaphore, #tpu.memory_space<semaphore_mem>>) src(%dma_wait3A_52 : memref<32x80xi32, #tpu.memory_space<hbm>>) dst(%arg12 : memref<32x80xi32, #tpu.memory_space<vmem>>)
        tpu.yield
      }) : () -> ()
      "tpu.region"() ({
        %run_scoped3A = tpu.sem_alloc : memref<!tpu.dma_semaphore, #tpu.memory_space<semaphore_mem>>
        %dma_start3A = arith.constant 0 : i32
        %dma_start3A_38 = arith.constant 0 : i32
        %dma_start3A_39 = tpu.memref_slice %arg7[%add3A, %scan3A_26, %dma_start3A, %dma_start3A_38] : memref<32x5x32x80xi32, #tpu.memory_space<hbm>> -> memref<1x1x32x80xi32, #tpu.memory_space<hbm>>
        %dma_start3A_40 = tpu.memref_squeeze %dma_start3A_39 : memref<1x1x32x80xi32, #tpu.memory_space<hbm>> -> memref<32x80xi32, #tpu.memory_space<hbm>>
        %dma_start3A_41 = arith.constant 0 : i32
        %dma_start3A_42 = arith.constant 0 : i32
        %dma_start3A_43 = tpu.memref_slice %arg7[%add3A, %scan3A_26, %dma_start3A_41, %dma_start3A_42] : memref<32x5x32x80xi32, #tpu.memory_space<hbm>> -> memref<1x1x32x80xi32, #tpu.memory_space<hbm>>
        %dma_start3A_44 = tpu.memref_squeeze %dma_start3A_43 : memref<1x1x32x80xi32, #tpu.memory_space<hbm>> -> memref<32x80xi32, #tpu.memory_space<hbm>>
        tpu.enqueue_dma source(%dma_start3A_44 : memref<32x80xi32, #tpu.memory_space<hbm>>) target(%arg13 : memref<32x80xi32, #tpu.memory_space<vmem>>) target_semaphore(%run_scoped3A : memref<!tpu.dma_semaphore, #tpu.memory_space<semaphore_mem>>)
        %dma_wait3A_45 = arith.constant 0 : i32
        %dma_wait3A_46 = arith.constant 0 : i32
        %dma_wait3A_47 = tpu.memref_slice %arg7[%add3A, %scan3A_26, %dma_wait3A_45, %dma_wait3A_46] : memref<32x5x32x80xi32, #tpu.memory_space<hbm>> -> memref<1x1x32x80xi32, #tpu.memory_space<hbm>>
        %dma_wait3A_48 = tpu.memref_squeeze %dma_wait3A_47 : memref<1x1x32x80xi32, #tpu.memory_space<hbm>> -> memref<32x80xi32, #tpu.memory_space<hbm>>
        %dma_wait3A_49 = arith.constant 0 : i32
        %dma_wait3A_50 = arith.constant 0 : i32
        %dma_wait3A_51 = tpu.memref_slice %arg7[%add3A, %scan3A_26, %dma_wait3A_49, %dma_wait3A_50] : memref<32x5x32x80xi32, #tpu.memory_space<hbm>> -> memref<1x1x32x80xi32, #tpu.memory_space<hbm>>
        %dma_wait3A_52 = tpu.memref_squeeze %dma_wait3A_51 : memref<1x1x32x80xi32, #tpu.memory_space<hbm>> -> memref<32x80xi32, #tpu.memory_space<hbm>>
        tpu.wait_dma2 semaphore(%run_scoped3A : memref<!tpu.dma_semaphore, #tpu.memory_space<semaphore_mem>>) src(%dma_wait3A_52 : memref<32x80xi32, #tpu.memory_space<hbm>>) dst(%arg13 : memref<32x80xi32, #tpu.memory_space<vmem>>)
        tpu.yield
      }) : () -> ()
      %scan3A_32 = arith.constant 0 : i32
      %scan3A_33 = arith.constant 0 : i32
      %scan3A_34 = arith.constant 25 : i32
      %scan3A_35 = arith.addi %scan3A_33, %scan3A_34 : i32
      %scan3A_36 = arith.constant 1 : i32
      scf.for %scan3A_38 = %scan3A_33 to %scan3A_35 step %scan3A_36  : i32 {
        %add3A_39 = arith.addi %add3A_31, %scan3A_38 : i32
        %mul3A_40 = arith.constant 80 : i32
        %mul3A_41 = arith.muli %add3A_39, %mul3A_40 : i32
        %gt3A = arith.constant 0 : i32
        %gt3A_42 = arith.cmpi sgt, %scan3A_26, %gt3A : i32
        %gt3A_43 = arith.constant 0 : i32
        %gt3A_44 = arith.cmpi sgt, %scan3A_38, %gt3A_43 : i32
        %or3A = arith.ori %gt3A_42, %gt3A_44 : i1
        %convert_element_type3A = arith.extui %or3A : i1 to i32
        %cond3A = arith.constant 0 : i32
        %cond3A_45 = arith.cmpi ne, %convert_element_type3A, %cond3A : i32
        scf.if %cond3A_45 {
          %dma_wait3A_109 = arith.constant 0 : i32
          %dma_wait3A_110 = tpu.memref_slice %arg8[%mul3A_41, %dma_wait3A_109] : memref<320000x128xf32, #tpu.memory_space<hbm>> -> memref<80x128xf32, #tpu.memory_space<hbm>>
          %dma_wait3A_111 = arith.constant 0 : i32
          %dma_wait3A_112 = tpu.memref_slice %arg8[%mul3A_41, %dma_wait3A_111] : memref<320000x128xf32, #tpu.memory_space<hbm>> -> memref<80x128xf32, #tpu.memory_space<hbm>>
          tpu.wait_dma2 semaphore(%arg22 : memref<!tpu.dma_semaphore, #tpu.memory_space<semaphore_mem>>) src(%arg14 : memref<80x128xf32, #tpu.memory_space<vmem>>) dst(%dma_wait3A_112 : memref<80x128xf32, #tpu.memory_space<hbm>>)
          %dma_wait3A_113 = arith.constant 0 : i32
          %dma_wait3A_114 = tpu.memref_slice %arg9[%mul3A_41, %dma_wait3A_113] : memref<320000x128xf32, #tpu.memory_space<hbm>> -> memref<80x128xf32, #tpu.memory_space<hbm>>
          %dma_wait3A_115 = arith.constant 0 : i32
          %dma_wait3A_116 = tpu.memref_slice %arg9[%mul3A_41, %dma_wait3A_115] : memref<320000x128xf32, #tpu.memory_space<hbm>> -> memref<80x128xf32, #tpu.memory_space<hbm>>
          tpu.wait_dma2 semaphore(%arg23 : memref<!tpu.dma_semaphore, #tpu.memory_space<semaphore_mem>>) src(%arg15 : memref<80x128xf32, #tpu.memory_space<vmem>>) dst(%dma_wait3A_116 : memref<80x128xf32, #tpu.memory_space<hbm>>)
          %dma_wait3A_117 = arith.constant 0 : i32
          %dma_wait3A_118 = tpu.memref_slice %arg10[%mul3A_41, %dma_wait3A_117] : memref<320000x128xf32, #tpu.memory_space<hbm>> -> memref<80x128xf32, #tpu.memory_space<hbm>>
          %dma_wait3A_119 = arith.constant 0 : i32
          %dma_wait3A_120 = tpu.memref_slice %arg10[%mul3A_41, %dma_wait3A_119] : memref<320000x128xf32, #tpu.memory_space<hbm>> -> memref<80x128xf32, #tpu.memory_space<hbm>>
          tpu.wait_dma2 semaphore(%arg24 : memref<!tpu.dma_semaphore, #tpu.memory_space<semaphore_mem>>) src(%arg16 : memref<80x128xf32, #tpu.memory_space<vmem>>) dst(%dma_wait3A_120 : memref<80x128xf32, #tpu.memory_space<hbm>>)
          %dma_wait3A_121 = arith.constant 0 : i32
          %dma_wait3A_122 = tpu.memref_slice %arg11[%mul3A_41, %dma_wait3A_121] : memref<320000x128xf32, #tpu.memory_space<hbm>> -> memref<80x128xf32, #tpu.memory_space<hbm>>
          %dma_wait3A_123 = arith.constant 0 : i32
          %dma_wait3A_124 = tpu.memref_slice %arg11[%mul3A_41, %dma_wait3A_123] : memref<320000x128xf32, #tpu.memory_space<hbm>> -> memref<80x128xf32, #tpu.memory_space<hbm>>
          tpu.wait_dma2 semaphore(%arg25 : memref<!tpu.dma_semaphore, #tpu.memory_space<semaphore_mem>>) src(%arg17 : memref<80x128xf32, #tpu.memory_space<vmem>>) dst(%dma_wait3A_124 : memref<80x128xf32, #tpu.memory_space<hbm>>)
        } else {
        }
        %dma_start3A = arith.constant 0 : i32
        %dma_start3A_46 = tpu.memref_slice %arg12[%scan3A_38, %dma_start3A] : memref<32x80xi32, #tpu.memory_space<vmem>> -> memref<1x80xi32, #tpu.memory_space<vmem>>
        %dma_start3A_47 = tpu.memref_squeeze %dma_start3A_46 : memref<1x80xi32, #tpu.memory_space<vmem>> -> memref<80xi32, #tpu.memory_space<vmem>>
        %dma_start3A_48 = arith.constant 0 : i32
        %dma_start3A_49 = arith.constant 0 : i32
        %dma_start3A_50 = tpu.memref_slice %arg2[%dma_start3A_48, %dma_start3A_49] : memref<10000x128xf32, #tpu.memory_space<hbm>> -> memref<10000x128xf32, #tpu.memory_space<hbm>>
        tpu.enqueue_indirect_dma source(%dma_start3A_50 : memref<10000x128xf32, #tpu.memory_space<hbm>>) target(%arg14 : memref<80x128xf32, #tpu.memory_space<vmem>>) offsets(%dma_start3A_47 : memref<80xi32, #tpu.memory_space<vmem>>) semaphore(%arg18 : memref<!tpu.dma_semaphore, #tpu.memory_space<semaphore_mem>>)
        %dma_start3A_51 = arith.constant 0 : i32
        %dma_start3A_52 = tpu.memref_slice %arg12[%scan3A_38, %dma_start3A_51] : memref<32x80xi32, #tpu.memory_space<vmem>> -> memref<1x80xi32, #tpu.memory_space<vmem>>
        %dma_start3A_53 = tpu.memref_squeeze %dma_start3A_52 : memref<1x80xi32, #tpu.memory_space<vmem>> -> memref<80xi32, #tpu.memory_space<vmem>>
        %dma_start3A_54 = arith.constant 0 : i32
        %dma_start3A_55 = arith.constant 0 : i32
        %dma_start3A_56 = tpu.memref_slice %arg3[%dma_start3A_54, %dma_start3A_55] : memref<10000x128xf32, #tpu.memory_space<hbm>> -> memref<10000x128xf32, #tpu.memory_space<hbm>>
        tpu.enqueue_indirect_dma source(%dma_start3A_56 : memref<10000x128xf32, #tpu.memory_space<hbm>>) target(%arg15 : memref<80x128xf32, #tpu.memory_space<vmem>>) offsets(%dma_start3A_53 : memref<80xi32, #tpu.memory_space<vmem>>) semaphore(%arg19 : memref<!tpu.dma_semaphore, #tpu.memory_space<semaphore_mem>>)
        %dma_start3A_57 = arith.constant 0 : i32
        %dma_start3A_58 = tpu.memref_slice %arg13[%scan3A_38, %dma_start3A_57] : memref<32x80xi32, #tpu.memory_space<vmem>> -> memref<1x80xi32, #tpu.memory_space<vmem>>
        %dma_start3A_59 = tpu.memref_squeeze %dma_start3A_58 : memref<1x80xi32, #tpu.memory_space<vmem>> -> memref<80xi32, #tpu.memory_space<vmem>>
        %dma_start3A_60 = arith.constant 0 : i32
        %dma_start3A_61 = arith.constant 0 : i32
        %dma_start3A_62 = tpu.memref_slice %arg4[%dma_start3A_60, %dma_start3A_61] : memref<10000x128xf32, #tpu.memory_space<hbm>> -> memref<10000x128xf32, #tpu.memory_space<hbm>>
        tpu.enqueue_indirect_dma source(%dma_start3A_62 : memref<10000x128xf32, #tpu.memory_space<hbm>>) target(%arg16 : memref<80x128xf32, #tpu.memory_space<vmem>>) offsets(%dma_start3A_59 : memref<80xi32, #tpu.memory_space<vmem>>) semaphore(%arg20 : memref<!tpu.dma_semaphore, #tpu.memory_space<semaphore_mem>>)
        %dma_start3A_63 = arith.constant 0 : i32
        %dma_start3A_64 = tpu.memref_slice %arg13[%scan3A_38, %dma_start3A_63] : memref<32x80xi32, #tpu.memory_space<vmem>> -> memref<1x80xi32, #tpu.memory_space<vmem>>
        %dma_start3A_65 = tpu.memref_squeeze %dma_start3A_64 : memref<1x80xi32, #tpu.memory_space<vmem>> -> memref<80xi32, #tpu.memory_space<vmem>>
        %dma_start3A_66 = arith.constant 0 : i32
        %dma_start3A_67 = arith.constant 0 : i32
        %dma_start3A_68 = tpu.memref_slice %arg5[%dma_start3A_66, %dma_start3A_67] : memref<10000x128xf32, #tpu.memory_space<hbm>> -> memref<10000x128xf32, #tpu.memory_space<hbm>>
        tpu.enqueue_indirect_dma source(%dma_start3A_68 : memref<10000x128xf32, #tpu.memory_space<hbm>>) target(%arg17 : memref<80x128xf32, #tpu.memory_space<vmem>>) offsets(%dma_start3A_65 : memref<80xi32, #tpu.memory_space<vmem>>) semaphore(%arg21 : memref<!tpu.dma_semaphore, #tpu.memory_space<semaphore_mem>>)
        %dma_wait3A_69 = arith.constant 0 : i32
        %dma_wait3A_70 = tpu.memref_slice %arg12[%scan3A_38, %dma_wait3A_69] : memref<32x80xi32, #tpu.memory_space<vmem>> -> memref<1x80xi32, #tpu.memory_space<vmem>>
        %dma_wait3A_71 = tpu.memref_squeeze %dma_wait3A_70 : memref<1x80xi32, #tpu.memory_space<vmem>> -> memref<80xi32, #tpu.memory_space<vmem>>
        %dma_wait3A_72 = arith.constant 0 : i32
        %dma_wait3A_73 = arith.constant 0 : i32
        %dma_wait3A_74 = tpu.memref_slice %arg2[%dma_wait3A_72, %dma_wait3A_73] : memref<10000x128xf32, #tpu.memory_space<hbm>> -> memref<10000x128xf32, #tpu.memory_space<hbm>>
        tpu.wait_indirect_dma semaphore(%arg18 : memref<!tpu.dma_semaphore, #tpu.memory_space<semaphore_mem>>) src(%dma_wait3A_74 : memref<10000x128xf32, #tpu.memory_space<hbm>>) dst(%arg14 : memref<80x128xf32, #tpu.memory_space<vmem>>)
        %dma_wait3A_75 = arith.constant 0 : i32
        %dma_wait3A_76 = tpu.memref_slice %arg12[%scan3A_38, %dma_wait3A_75] : memref<32x80xi32, #tpu.memory_space<vmem>> -> memref<1x80xi32, #tpu.memory_space<vmem>>
        %dma_wait3A_77 = tpu.memref_squeeze %dma_wait3A_76 : memref<1x80xi32, #tpu.memory_space<vmem>> -> memref<80xi32, #tpu.memory_space<vmem>>
        %dma_wait3A_78 = arith.constant 0 : i32
        %dma_wait3A_79 = arith.constant 0 : i32
        %dma_wait3A_80 = tpu.memref_slice %arg3[%dma_wait3A_78, %dma_wait3A_79] : memref<10000x128xf32, #tpu.memory_space<hbm>> -> memref<10000x128xf32, #tpu.memory_space<hbm>>
        tpu.wait_indirect_dma semaphore(%arg19 : memref<!tpu.dma_semaphore, #tpu.memory_space<semaphore_mem>>) src(%dma_wait3A_80 : memref<10000x128xf32, #tpu.memory_space<hbm>>) dst(%arg15 : memref<80x128xf32, #tpu.memory_space<vmem>>)
        %dma_wait3A_81 = arith.constant 0 : i32
        %dma_wait3A_82 = tpu.memref_slice %arg13[%scan3A_38, %dma_wait3A_81] : memref<32x80xi32, #tpu.memory_space<vmem>> -> memref<1x80xi32, #tpu.memory_space<vmem>>
        %dma_wait3A_83 = tpu.memref_squeeze %dma_wait3A_82 : memref<1x80xi32, #tpu.memory_space<vmem>> -> memref<80xi32, #tpu.memory_space<vmem>>
        %dma_wait3A_84 = arith.constant 0 : i32
        %dma_wait3A_85 = arith.constant 0 : i32
        %dma_wait3A_86 = tpu.memref_slice %arg4[%dma_wait3A_84, %dma_wait3A_85] : memref<10000x128xf32, #tpu.memory_space<hbm>> -> memref<10000x128xf32, #tpu.memory_space<hbm>>
        tpu.wait_indirect_dma semaphore(%arg20 : memref<!tpu.dma_semaphore, #tpu.memory_space<semaphore_mem>>) src(%dma_wait3A_86 : memref<10000x128xf32, #tpu.memory_space<hbm>>) dst(%arg16 : memref<80x128xf32, #tpu.memory_space<vmem>>)
        %dma_wait3A_87 = arith.constant 0 : i32
        %dma_wait3A_88 = tpu.memref_slice %arg13[%scan3A_38, %dma_wait3A_87] : memref<32x80xi32, #tpu.memory_space<vmem>> -> memref<1x80xi32, #tpu.memory_space<vmem>>
        %dma_wait3A_89 = tpu.memref_squeeze %dma_wait3A_88 : memref<1x80xi32, #tpu.memory_space<vmem>> -> memref<80xi32, #tpu.memory_space<vmem>>
        %dma_wait3A_90 = arith.constant 0 : i32
        %dma_wait3A_91 = arith.constant 0 : i32
        %dma_wait3A_92 = tpu.memref_slice %arg5[%dma_wait3A_90, %dma_wait3A_91] : memref<10000x128xf32, #tpu.memory_space<hbm>> -> memref<10000x128xf32, #tpu.memory_space<hbm>>
        tpu.wait_indirect_dma semaphore(%arg21 : memref<!tpu.dma_semaphore, #tpu.memory_space<semaphore_mem>>) src(%dma_wait3A_92 : memref<10000x128xf32, #tpu.memory_space<hbm>>) dst(%arg17 : memref<80x128xf32, #tpu.memory_space<vmem>>)
        %dma_start3A_93 = arith.constant 0 : i32
        %dma_start3A_94 = tpu.memref_slice %arg8[%mul3A_41, %dma_start3A_93] : memref<320000x128xf32, #tpu.memory_space<hbm>> -> memref<80x128xf32, #tpu.memory_space<hbm>>
        %dma_start3A_95 = arith.constant 0 : i32
        %dma_start3A_96 = tpu.memref_slice %arg8[%mul3A_41, %dma_start3A_95] : memref<320000x128xf32, #tpu.memory_space<hbm>> -> memref<80x128xf32, #tpu.memory_space<hbm>>
        tpu.enqueue_dma source(%arg14 : memref<80x128xf32, #tpu.memory_space<vmem>>) target(%dma_start3A_96 : memref<80x128xf32, #tpu.memory_space<hbm>>) target_semaphore(%arg22 : memref<!tpu.dma_semaphore, #tpu.memory_space<semaphore_mem>>)
        %dma_start3A_97 = arith.constant 0 : i32
        %dma_start3A_98 = tpu.memref_slice %arg9[%mul3A_41, %dma_start3A_97] : memref<320000x128xf32, #tpu.memory_space<hbm>> -> memref<80x128xf32, #tpu.memory_space<hbm>>
        %dma_start3A_99 = arith.constant 0 : i32
        %dma_start3A_100 = tpu.memref_slice %arg9[%mul3A_41, %dma_start3A_99] : memref<320000x128xf32, #tpu.memory_space<hbm>> -> memref<80x128xf32, #tpu.memory_space<hbm>>
        tpu.enqueue_dma source(%arg15 : memref<80x128xf32, #tpu.memory_space<vmem>>) target(%dma_start3A_100 : memref<80x128xf32, #tpu.memory_space<hbm>>) target_semaphore(%arg23 : memref<!tpu.dma_semaphore, #tpu.memory_space<semaphore_mem>>)
        %dma_start3A_101 = arith.constant 0 : i32
        %dma_start3A_102 = tpu.memref_slice %arg10[%mul3A_41, %dma_start3A_101] : memref<320000x128xf32, #tpu.memory_space<hbm>> -> memref<80x128xf32, #tpu.memory_space<hbm>>
        %dma_start3A_103 = arith.constant 0 : i32
        %dma_start3A_104 = tpu.memref_slice %arg10[%mul3A_41, %dma_start3A_103] : memref<320000x128xf32, #tpu.memory_space<hbm>> -> memref<80x128xf32, #tpu.memory_space<hbm>>
        tpu.enqueue_dma source(%arg16 : memref<80x128xf32, #tpu.memory_space<vmem>>) target(%dma_start3A_104 : memref<80x128xf32, #tpu.memory_space<hbm>>) target_semaphore(%arg24 : memref<!tpu.dma_semaphore, #tpu.memory_space<semaphore_mem>>)
        %dma_start3A_105 = arith.constant 0 : i32
        %dma_start3A_106 = tpu.memref_slice %arg11[%mul3A_41, %dma_start3A_105] : memref<320000x128xf32, #tpu.memory_space<hbm>> -> memref<80x128xf32, #tpu.memory_space<hbm>>
        %dma_start3A_107 = arith.constant 0 : i32
        %dma_start3A_108 = tpu.memref_slice %arg11[%mul3A_41, %dma_start3A_107] : memref<320000x128xf32, #tpu.memory_space<hbm>> -> memref<80x128xf32, #tpu.memory_space<hbm>>
        tpu.enqueue_dma source(%arg17 : memref<80x128xf32, #tpu.memory_space<vmem>>) target(%dma_start3A_108 : memref<80x128xf32, #tpu.memory_space<hbm>>) target_semaphore(%arg25 : memref<!tpu.dma_semaphore, #tpu.memory_space<semaphore_mem>>)
      }
      %scan3A_37 = arith.constant 25 : i32
    }
    %scan3A_5 = arith.constant 5 : i32
    %add3A_6 = arith.constant 1 : i32
    %add3A_7 = arith.addi %add3A, %add3A_6 : i32
    %mul3A_8 = arith.constant 10000 : i32
    %mul3A_9 = arith.muli %add3A_7, %mul3A_8 : i32
    %sub3A = arith.constant 80 : i32
    %sub3A_10 = arith.subi %mul3A_9, %sub3A : i32
    %dma_wait3A = arith.constant 0 : i32
    %dma_wait3A_11 = tpu.memref_slice %arg8[%sub3A_10, %dma_wait3A] : memref<320000x128xf32, #tpu.memory_space<hbm>> -> memref<80x128xf32, #tpu.memory_space<hbm>>
    %dma_wait3A_12 = arith.constant 0 : i32
    %dma_wait3A_13 = tpu.memref_slice %arg8[%sub3A_10, %dma_wait3A_12] : memref<320000x128xf32, #tpu.memory_space<hbm>> -> memref<80x128xf32, #tpu.memory_space<hbm>>
    tpu.wait_dma2 semaphore(%arg22 : memref<!tpu.dma_semaphore, #tpu.memory_space<semaphore_mem>>) src(%arg14 : memref<80x128xf32, #tpu.memory_space<vmem>>) dst(%dma_wait3A_13 : memref<80x128xf32, #tpu.memory_space<hbm>>)
    %dma_wait3A_14 = arith.constant 0 : i32
    %dma_wait3A_15 = tpu.memref_slice %arg9[%sub3A_10, %dma_wait3A_14] : memref<320000x128xf32, #tpu.memory_space<hbm>> -> memref<80x128xf32, #tpu.memory_space<hbm>>
    %dma_wait3A_16 = arith.constant 0 : i32
    %dma_wait3A_17 = tpu.memref_slice %arg9[%sub3A_10, %dma_wait3A_16] : memref<320000x128xf32, #tpu.memory_space<hbm>> -> memref<80x128xf32, #tpu.memory_space<hbm>>
    tpu.wait_dma2 semaphore(%arg23 : memref<!tpu.dma_semaphore, #tpu.memory_space<semaphore_mem>>) src(%arg15 : memref<80x128xf32, #tpu.memory_space<vmem>>) dst(%dma_wait3A_17 : memref<80x128xf32, #tpu.memory_space<hbm>>)
    %dma_wait3A_18 = arith.constant 0 : i32
    %dma_wait3A_19 = tpu.memref_slice %arg10[%sub3A_10, %dma_wait3A_18] : memref<320000x128xf32, #tpu.memory_space<hbm>> -> memref<80x128xf32, #tpu.memory_space<hbm>>
    %dma_wait3A_20 = arith.constant 0 : i32
    %dma_wait3A_21 = tpu.memref_slice %arg10[%sub3A_10, %dma_wait3A_20] : memref<320000x128xf32, #tpu.memory_space<hbm>> -> memref<80x128xf32, #tpu.memory_space<hbm>>
    tpu.wait_dma2 semaphore(%arg24 : memref<!tpu.dma_semaphore, #tpu.memory_space<semaphore_mem>>) src(%arg16 : memref<80x128xf32, #tpu.memory_space<vmem>>) dst(%dma_wait3A_21 : memref<80x128xf32, #tpu.memory_space<hbm>>)
    %dma_wait3A_22 = arith.constant 0 : i32
    %dma_wait3A_23 = tpu.memref_slice %arg11[%sub3A_10, %dma_wait3A_22] : memref<320000x128xf32, #tpu.memory_space<hbm>> -> memref<80x128xf32, #tpu.memory_space<hbm>>
    %dma_wait3A_24 = arith.constant 0 : i32
    %dma_wait3A_25 = tpu.memref_slice %arg11[%sub3A_10, %dma_wait3A_24] : memref<320000x128xf32, #tpu.memory_space<hbm>> -> memref<80x128xf32, #tpu.memory_space<hbm>>
    tpu.wait_dma2 semaphore(%arg25 : memref<!tpu.dma_semaphore, #tpu.memory_space<semaphore_mem>>) src(%arg17 : memref<80x128xf32, #tpu.memory_space<vmem>>) dst(%dma_wait3A_25 : memref<80x128xf32, #tpu.memory_space<hbm>>)
    return
  }
}

#map = affine_map<(d0, d1) -> (0, 0)>
#map1 = affine_map<(d0, d1) -> (0, 0, 0, 0)>
#map2 = affine_map<(d0, d1) -> (0, 0, 0)>
module attributes {stable_mosaic.version = 14 : i64} {
  func.func @k(%arg0: i32, %arg1: i32, %arg2: memref<320000x128xf32, #tpu.memory_space<hbm>>, %arg3: memref<32x5x32x80xi32, #tpu.memory_space<hbm>>, %arg4: memref<10240x128xf32, #tpu.memory_space<hbm>>, %arg5: memref<2x10240x128xf32, #tpu.memory_space<hbm>>, %arg6: memref<32x80xi32, #tpu.memory_space<vmem>>, %arg7: memref<80x128xf32, #tpu.memory_space<vmem>>, %arg8: memref<10240x128xf32, #tpu.memory_space<vmem_shared>>, %arg9: memref<!tpu.dma_semaphore, #tpu.memory_space<semaphore_mem>>) attributes {dimension_semantics = [#tpu.dimension_semantics<core_parallel>, #tpu.dimension_semantics<subcore_parallel>], iteration_bounds = array<i64: 2, 16>, scalar_prefetch = 0 : i64, scratch_operands = 4 : i64, tpu.core_type = #tpu.core_type<sc_vector_subcore>, window_params = [{transform_indices = #map}, {transform_indices = #map1}, {transform_indices = #map}, {transform_indices = #map2}]} {
    %mul3A = arith.constant 2 : i32
    %mul3A_0 = arith.muli %arg1, %mul3A : i32
    %add3A = arith.addi %mul3A_0, %arg0 : i32
    %mul3A_1 = arith.constant 640 : i32
    %mul3A_2 = arith.muli %arg1, %mul3A_1 : i32
    %mul3A_3 = arith.constant 640 : i32
    %mul3A_4 = arith.muli %arg1, %mul3A_3 : i32
    "tpu.region"() ({
      %run_scoped3A = tpu.sem_alloc : memref<!tpu.dma_semaphore, #tpu.memory_space<semaphore_mem>>
      %dma_start3A = arith.constant 0 : i32
      %dma_start3A_21 = tpu.memref_slice %arg8[%mul3A_4, %dma_start3A] : memref<10240x128xf32, #tpu.memory_space<vmem_shared>> -> memref<640x128xf32, #tpu.memory_space<vmem_shared>>
      %dma_start3A_22 = arith.constant 0 : i32
      %dma_start3A_23 = tpu.memref_slice %arg4[%mul3A_2, %dma_start3A_22] : memref<10240x128xf32, #tpu.memory_space<hbm>> -> memref<640x128xf32, #tpu.memory_space<hbm>>
      tpu.enqueue_dma source(%dma_start3A_23 : memref<640x128xf32, #tpu.memory_space<hbm>>) target(%dma_start3A_21 : memref<640x128xf32, #tpu.memory_space<vmem_shared>>) target_semaphore(%run_scoped3A : memref<!tpu.dma_semaphore, #tpu.memory_space<semaphore_mem>>)
      %dma_wait3A_24 = arith.constant 0 : i32
      %dma_wait3A_25 = tpu.memref_slice %arg8[%mul3A_4, %dma_wait3A_24] : memref<10240x128xf32, #tpu.memory_space<vmem_shared>> -> memref<640x128xf32, #tpu.memory_space<vmem_shared>>
      %dma_wait3A_26 = arith.constant 0 : i32
      %dma_wait3A_27 = tpu.memref_slice %arg4[%mul3A_2, %dma_wait3A_26] : memref<10240x128xf32, #tpu.memory_space<hbm>> -> memref<640x128xf32, #tpu.memory_space<hbm>>
      tpu.wait_dma2 semaphore(%run_scoped3A : memref<!tpu.dma_semaphore, #tpu.memory_space<semaphore_mem>>) src(%dma_wait3A_27 : memref<640x128xf32, #tpu.memory_space<hbm>>) dst(%dma_wait3A_25 : memref<640x128xf32, #tpu.memory_space<vmem_shared>>)
      tpu.yield
    }) : () -> ()
    %barrier3A = arith.constant 0 : index
    tpu.barrier barrier_id(%barrier3A)
    %scan3A = arith.constant 0 : i32
    %scan3A_5 = arith.constant 0 : i32
    %scan3A_6 = arith.constant 5 : i32
    %scan3A_7 = arith.addi %scan3A_5, %scan3A_6 : i32
    %scan3A_8 = arith.constant 1 : i32
    scf.for %scan3A_21 = %scan3A_5 to %scan3A_7 step %scan3A_8  : i32 {
      %mul3A_22 = arith.constant 125 : i32
      %mul3A_23 = arith.muli %add3A, %mul3A_22 : i32
      %mul3A_24 = arith.constant 25 : i32
      %mul3A_25 = arith.muli %scan3A_21, %mul3A_24 : i32
      %add3A_26 = arith.addi %mul3A_23, %mul3A_25 : i32
      %gt3A = arith.constant 0 : i32
      %gt3A_27 = arith.cmpi sgt, %scan3A_21, %gt3A : i32
      %convert_element_type3A = arith.extui %gt3A_27 : i1 to i32
      %cond3A = arith.constant 0 : i32
      %cond3A_28 = arith.cmpi ne, %convert_element_type3A, %cond3A : i32
      scf.if %cond3A_28 {
        %dma_wait3A_35 = arith.constant 24 : i32
        %dma_wait3A_36 = arith.constant 0 : i32
        %dma_wait3A_37 = tpu.memref_slice %arg6[%dma_wait3A_35, %dma_wait3A_36] : memref<32x80xi32, #tpu.memory_space<vmem>> -> memref<1x80xi32, #tpu.memory_space<vmem>>
        %dma_wait3A_38 = tpu.memref_squeeze %dma_wait3A_37 : memref<1x80xi32, #tpu.memory_space<vmem>> -> memref<80xi32, #tpu.memory_space<vmem>>
        %dma_wait3A_39 = arith.constant 0 : i32
        %dma_wait3A_40 = arith.constant 0 : i32
        %dma_wait3A_41 = tpu.memref_slice %arg8[%dma_wait3A_39, %dma_wait3A_40] : memref<10240x128xf32, #tpu.memory_space<vmem_shared>> -> memref<10240x128xf32, #tpu.memory_space<vmem_shared>>
        tpu.wait_indirect_dma semaphore(%arg9 : memref<!tpu.dma_semaphore, #tpu.memory_space<semaphore_mem>>) src(%arg7 : memref<80x128xf32, #tpu.memory_space<vmem>>) dst(%dma_wait3A_41 : memref<10240x128xf32, #tpu.memory_space<vmem_shared>>)
      } else {
      }
      "tpu.region"() ({
        %run_scoped3A = tpu.sem_alloc : memref<!tpu.dma_semaphore, #tpu.memory_space<semaphore_mem>>
        %dma_start3A = arith.constant 0 : i32
        %dma_start3A_35 = arith.constant 0 : i32
        %dma_start3A_36 = tpu.memref_slice %arg3[%add3A, %scan3A_21, %dma_start3A, %dma_start3A_35] : memref<32x5x32x80xi32, #tpu.memory_space<hbm>> -> memref<1x1x32x80xi32, #tpu.memory_space<hbm>>
        %dma_start3A_37 = tpu.memref_squeeze %dma_start3A_36 : memref<1x1x32x80xi32, #tpu.memory_space<hbm>> -> memref<32x80xi32, #tpu.memory_space<hbm>>
        %dma_start3A_38 = arith.constant 0 : i32
        %dma_start3A_39 = arith.constant 0 : i32
        %dma_start3A_40 = tpu.memref_slice %arg3[%add3A, %scan3A_21, %dma_start3A_38, %dma_start3A_39] : memref<32x5x32x80xi32, #tpu.memory_space<hbm>> -> memref<1x1x32x80xi32, #tpu.memory_space<hbm>>
        %dma_start3A_41 = tpu.memref_squeeze %dma_start3A_40 : memref<1x1x32x80xi32, #tpu.memory_space<hbm>> -> memref<32x80xi32, #tpu.memory_space<hbm>>
        tpu.enqueue_dma source(%dma_start3A_41 : memref<32x80xi32, #tpu.memory_space<hbm>>) target(%arg6 : memref<32x80xi32, #tpu.memory_space<vmem>>) target_semaphore(%run_scoped3A : memref<!tpu.dma_semaphore, #tpu.memory_space<semaphore_mem>>)
        %dma_wait3A_42 = arith.constant 0 : i32
        %dma_wait3A_43 = arith.constant 0 : i32
        %dma_wait3A_44 = tpu.memref_slice %arg3[%add3A, %scan3A_21, %dma_wait3A_42, %dma_wait3A_43] : memref<32x5x32x80xi32, #tpu.memory_space<hbm>> -> memref<1x1x32x80xi32, #tpu.memory_space<hbm>>
        %dma_wait3A_45 = tpu.memref_squeeze %dma_wait3A_44 : memref<1x1x32x80xi32, #tpu.memory_space<hbm>> -> memref<32x80xi32, #tpu.memory_space<hbm>>
        %dma_wait3A_46 = arith.constant 0 : i32
        %dma_wait3A_47 = arith.constant 0 : i32
        %dma_wait3A_48 = tpu.memref_slice %arg3[%add3A, %scan3A_21, %dma_wait3A_46, %dma_wait3A_47] : memref<32x5x32x80xi32, #tpu.memory_space<hbm>> -> memref<1x1x32x80xi32, #tpu.memory_space<hbm>>
        %dma_wait3A_49 = tpu.memref_squeeze %dma_wait3A_48 : memref<1x1x32x80xi32, #tpu.memory_space<hbm>> -> memref<32x80xi32, #tpu.memory_space<hbm>>
        tpu.wait_dma2 semaphore(%run_scoped3A : memref<!tpu.dma_semaphore, #tpu.memory_space<semaphore_mem>>) src(%dma_wait3A_49 : memref<32x80xi32, #tpu.memory_space<hbm>>) dst(%arg6 : memref<32x80xi32, #tpu.memory_space<vmem>>)
        tpu.yield
      }) : () -> ()
      %scan3A_29 = arith.constant 0 : i32
      %scan3A_30 = arith.constant 0 : i32
      %scan3A_31 = arith.constant 25 : i32
      %scan3A_32 = arith.addi %scan3A_30, %scan3A_31 : i32
      %scan3A_33 = arith.constant 1 : i32
      scf.for %scan3A_35 = %scan3A_30 to %scan3A_32 step %scan3A_33  : i32 {
        %add3A_36 = arith.addi %add3A_26, %scan3A_35 : i32
        %mul3A_37 = arith.constant 80 : i32
        %mul3A_38 = arith.muli %add3A_36, %mul3A_37 : i32
        %gt3A_39 = arith.constant 0 : i32
        %gt3A_40 = arith.cmpi sgt, %scan3A_35, %gt3A_39 : i32
        %convert_element_type3A_41 = arith.extui %gt3A_40 : i1 to i32
        %cond3A_42 = arith.constant 0 : i32
        %cond3A_43 = arith.cmpi ne, %convert_element_type3A_41, %cond3A_42 : i32
        scf.if %cond3A_43 {
          %dma_wait3A_49 = arith.constant 0 : i32
          %dma_wait3A_50 = tpu.memref_slice %arg6[%scan3A_35, %dma_wait3A_49] : memref<32x80xi32, #tpu.memory_space<vmem>> -> memref<1x80xi32, #tpu.memory_space<vmem>>
          %dma_wait3A_51 = tpu.memref_squeeze %dma_wait3A_50 : memref<1x80xi32, #tpu.memory_space<vmem>> -> memref<80xi32, #tpu.memory_space<vmem>>
          %dma_wait3A_52 = arith.constant 0 : i32
          %dma_wait3A_53 = arith.constant 0 : i32
          %dma_wait3A_54 = tpu.memref_slice %arg8[%dma_wait3A_52, %dma_wait3A_53] : memref<10240x128xf32, #tpu.memory_space<vmem_shared>> -> memref<10240x128xf32, #tpu.memory_space<vmem_shared>>
          tpu.wait_indirect_dma semaphore(%arg9 : memref<!tpu.dma_semaphore, #tpu.memory_space<semaphore_mem>>) src(%arg7 : memref<80x128xf32, #tpu.memory_space<vmem>>) dst(%dma_wait3A_54 : memref<10240x128xf32, #tpu.memory_space<vmem_shared>>)
        } else {
        }
        "tpu.region"() ({
          %run_scoped3A = tpu.sem_alloc : memref<!tpu.dma_semaphore, #tpu.memory_space<semaphore_mem>>
          %dma_start3A_49 = arith.constant 0 : i32
          %dma_start3A_50 = tpu.memref_slice %arg2[%mul3A_38, %dma_start3A_49] : memref<320000x128xf32, #tpu.memory_space<hbm>> -> memref<80x128xf32, #tpu.memory_space<hbm>>
          %dma_start3A_51 = arith.constant 0 : i32
          %dma_start3A_52 = tpu.memref_slice %arg2[%mul3A_38, %dma_start3A_51] : memref<320000x128xf32, #tpu.memory_space<hbm>> -> memref<80x128xf32, #tpu.memory_space<hbm>>
          tpu.enqueue_dma source(%dma_start3A_52 : memref<80x128xf32, #tpu.memory_space<hbm>>) target(%arg7 : memref<80x128xf32, #tpu.memory_space<vmem>>) target_semaphore(%run_scoped3A : memref<!tpu.dma_semaphore, #tpu.memory_space<semaphore_mem>>)
          %dma_wait3A_53 = arith.constant 0 : i32
          %dma_wait3A_54 = tpu.memref_slice %arg2[%mul3A_38, %dma_wait3A_53] : memref<320000x128xf32, #tpu.memory_space<hbm>> -> memref<80x128xf32, #tpu.memory_space<hbm>>
          %dma_wait3A_55 = arith.constant 0 : i32
          %dma_wait3A_56 = tpu.memref_slice %arg2[%mul3A_38, %dma_wait3A_55] : memref<320000x128xf32, #tpu.memory_space<hbm>> -> memref<80x128xf32, #tpu.memory_space<hbm>>
          tpu.wait_dma2 semaphore(%run_scoped3A : memref<!tpu.dma_semaphore, #tpu.memory_space<semaphore_mem>>) src(%dma_wait3A_56 : memref<80x128xf32, #tpu.memory_space<hbm>>) dst(%arg7 : memref<80x128xf32, #tpu.memory_space<vmem>>)
          tpu.yield
        }) : () -> ()
        %dma_start3A = arith.constant 0 : i32
        %dma_start3A_44 = tpu.memref_slice %arg6[%scan3A_35, %dma_start3A] : memref<32x80xi32, #tpu.memory_space<vmem>> -> memref<1x80xi32, #tpu.memory_space<vmem>>
        %dma_start3A_45 = tpu.memref_squeeze %dma_start3A_44 : memref<1x80xi32, #tpu.memory_space<vmem>> -> memref<80xi32, #tpu.memory_space<vmem>>
        %dma_start3A_46 = arith.constant 0 : i32
        %dma_start3A_47 = arith.constant 0 : i32
        %dma_start3A_48 = tpu.memref_slice %arg8[%dma_start3A_46, %dma_start3A_47] : memref<10240x128xf32, #tpu.memory_space<vmem_shared>> -> memref<10240x128xf32, #tpu.memory_space<vmem_shared>>
        tpu.enqueue_indirect_dma source(%arg7 : memref<80x128xf32, #tpu.memory_space<vmem>>) target(%dma_start3A_48 : memref<10240x128xf32, #tpu.memory_space<vmem_shared>>) offsets(%dma_start3A_45 : memref<80xi32, #tpu.memory_space<vmem>>) semaphore(%arg9 : memref<!tpu.dma_semaphore, #tpu.memory_space<semaphore_mem>>) {add = true}
      }
      %scan3A_34 = arith.constant 25 : i32
    }
    %scan3A_9 = arith.constant 5 : i32
    %dma_wait3A = arith.constant 24 : i32
    %dma_wait3A_10 = arith.constant 0 : i32
    %dma_wait3A_11 = tpu.memref_slice %arg6[%dma_wait3A, %dma_wait3A_10] : memref<32x80xi32, #tpu.memory_space<vmem>> -> memref<1x80xi32, #tpu.memory_space<vmem>>
    %dma_wait3A_12 = tpu.memref_squeeze %dma_wait3A_11 : memref<1x80xi32, #tpu.memory_space<vmem>> -> memref<80xi32, #tpu.memory_space<vmem>>
    %dma_wait3A_13 = arith.constant 0 : i32
    %dma_wait3A_14 = arith.constant 0 : i32
    %dma_wait3A_15 = tpu.memref_slice %arg8[%dma_wait3A_13, %dma_wait3A_14] : memref<10240x128xf32, #tpu.memory_space<vmem_shared>> -> memref<10240x128xf32, #tpu.memory_space<vmem_shared>>
    tpu.wait_indirect_dma semaphore(%arg9 : memref<!tpu.dma_semaphore, #tpu.memory_space<semaphore_mem>>) src(%arg7 : memref<80x128xf32, #tpu.memory_space<vmem>>) dst(%dma_wait3A_15 : memref<10240x128xf32, #tpu.memory_space<vmem_shared>>)
    %barrier3A_16 = arith.constant 0 : index
    tpu.barrier barrier_id(%barrier3A_16)
    %mul3A_17 = arith.constant 640 : i32
    %mul3A_18 = arith.muli %arg1, %mul3A_17 : i32
    %mul3A_19 = arith.constant 640 : i32
    %mul3A_20 = arith.muli %arg1, %mul3A_19 : i32
    "tpu.region"() ({
      %run_scoped3A = tpu.sem_alloc : memref<!tpu.dma_semaphore, #tpu.memory_space<semaphore_mem>>
      %dma_start3A = arith.constant 0 : i32
      %dma_start3A_21 = tpu.memref_slice %arg5[%arg0, %mul3A_20, %dma_start3A] : memref<2x10240x128xf32, #tpu.memory_space<hbm>> -> memref<1x640x128xf32, #tpu.memory_space<hbm>>
      %dma_start3A_22 = tpu.memref_squeeze %dma_start3A_21 : memref<1x640x128xf32, #tpu.memory_space<hbm>> -> memref<640x128xf32, #tpu.memory_space<hbm>>
      %dma_start3A_23 = arith.constant 0 : i32
      %dma_start3A_24 = tpu.memref_slice %arg8[%mul3A_18, %dma_start3A_23] : memref<10240x128xf32, #tpu.memory_space<vmem_shared>> -> memref<640x128xf32, #tpu.memory_space<vmem_shared>>
      tpu.enqueue_dma source(%dma_start3A_24 : memref<640x128xf32, #tpu.memory_space<vmem_shared>>) target(%dma_start3A_22 : memref<640x128xf32, #tpu.memory_space<hbm>>) target_semaphore(%run_scoped3A : memref<!tpu.dma_semaphore, #tpu.memory_space<semaphore_mem>>)
      %dma_wait3A_25 = arith.constant 0 : i32
      %dma_wait3A_26 = tpu.memref_slice %arg5[%arg0, %mul3A_20, %dma_wait3A_25] : memref<2x10240x128xf32, #tpu.memory_space<hbm>> -> memref<1x640x128xf32, #tpu.memory_space<hbm>>
      %dma_wait3A_27 = tpu.memref_squeeze %dma_wait3A_26 : memref<1x640x128xf32, #tpu.memory_space<hbm>> -> memref<640x128xf32, #tpu.memory_space<hbm>>
      %dma_wait3A_28 = arith.constant 0 : i32
      %dma_wait3A_29 = tpu.memref_slice %arg8[%mul3A_18, %dma_wait3A_28] : memref<10240x128xf32, #tpu.memory_space<vmem_shared>> -> memref<640x128xf32, #tpu.memory_space<vmem_shared>>
      tpu.wait_dma2 semaphore(%run_scoped3A : memref<!tpu.dma_semaphore, #tpu.memory_space<semaphore_mem>>) src(%dma_wait3A_29 : memref<640x128xf32, #tpu.memory_space<vmem_shared>>) dst(%dma_wait3A_27 : memref<640x128xf32, #tpu.memory_space<hbm>>)
      tpu.yield
    }) : () -> ()
    return
  }
}

#map = affine_map<(d0, d1) -> (0, 0)>
#map1 = affine_map<(d0, d1) -> (0, 0, 0, 0)>
#map2 = affine_map<(d0, d1) -> (0, 0, 0)>
module attributes {stable_mosaic.version = 14 : i64} {
  func.func @k(%arg0: i32, %arg1: i32, %arg2: memref<320000x128xf32, #tpu.memory_space<hbm>>, %arg3: memref<32x5x32x80xi32, #tpu.memory_space<hbm>>, %arg4: memref<10240x128xf32, #tpu.memory_space<hbm>>, %arg5: memref<2x10240x128xf32, #tpu.memory_space<hbm>>, %arg6: memref<32x80xi32, #tpu.memory_space<vmem>>, %arg7: memref<80x128xf32, #tpu.memory_space<vmem>>, %arg8: memref<10240x128xf32, #tpu.memory_space<vmem_shared>>, %arg9: memref<!tpu.dma_semaphore, #tpu.memory_space<semaphore_mem>>) attributes {dimension_semantics = [#tpu.dimension_semantics<core_parallel>, #tpu.dimension_semantics<subcore_parallel>], iteration_bounds = array<i64: 2, 16>, scalar_prefetch = 0 : i64, scratch_operands = 4 : i64, tpu.core_type = #tpu.core_type<sc_vector_subcore>, window_params = [{transform_indices = #map}, {transform_indices = #map1}, {transform_indices = #map}, {transform_indices = #map2}]} {
    %mul3A = arith.constant 2 : i32
    %mul3A_0 = arith.muli %arg1, %mul3A : i32
    %add3A = arith.addi %mul3A_0, %arg0 : i32
    %mul3A_1 = arith.constant 640 : i32
    %mul3A_2 = arith.muli %arg1, %mul3A_1 : i32
    %mul3A_3 = arith.constant 640 : i32
    %mul3A_4 = arith.muli %arg1, %mul3A_3 : i32
    "tpu.region"() ({
      %run_scoped3A = tpu.sem_alloc : memref<!tpu.dma_semaphore, #tpu.memory_space<semaphore_mem>>
      %dma_start3A = arith.constant 0 : i32
      %dma_start3A_21 = tpu.memref_slice %arg8[%mul3A_4, %dma_start3A] : memref<10240x128xf32, #tpu.memory_space<vmem_shared>> -> memref<640x128xf32, #tpu.memory_space<vmem_shared>>
      %dma_start3A_22 = arith.constant 0 : i32
      %dma_start3A_23 = tpu.memref_slice %arg4[%mul3A_2, %dma_start3A_22] : memref<10240x128xf32, #tpu.memory_space<hbm>> -> memref<640x128xf32, #tpu.memory_space<hbm>>
      tpu.enqueue_dma source(%dma_start3A_23 : memref<640x128xf32, #tpu.memory_space<hbm>>) target(%dma_start3A_21 : memref<640x128xf32, #tpu.memory_space<vmem_shared>>) target_semaphore(%run_scoped3A : memref<!tpu.dma_semaphore, #tpu.memory_space<semaphore_mem>>)
      %dma_wait3A_24 = arith.constant 0 : i32
      %dma_wait3A_25 = tpu.memref_slice %arg8[%mul3A_4, %dma_wait3A_24] : memref<10240x128xf32, #tpu.memory_space<vmem_shared>> -> memref<640x128xf32, #tpu.memory_space<vmem_shared>>
      %dma_wait3A_26 = arith.constant 0 : i32
      %dma_wait3A_27 = tpu.memref_slice %arg4[%mul3A_2, %dma_wait3A_26] : memref<10240x128xf32, #tpu.memory_space<hbm>> -> memref<640x128xf32, #tpu.memory_space<hbm>>
      tpu.wait_dma2 semaphore(%run_scoped3A : memref<!tpu.dma_semaphore, #tpu.memory_space<semaphore_mem>>) src(%dma_wait3A_27 : memref<640x128xf32, #tpu.memory_space<hbm>>) dst(%dma_wait3A_25 : memref<640x128xf32, #tpu.memory_space<vmem_shared>>)
      tpu.yield
    }) : () -> ()
    %barrier3A = arith.constant 0 : index
    tpu.barrier barrier_id(%barrier3A)
    %scan3A = arith.constant 0 : i32
    %scan3A_5 = arith.constant 0 : i32
    %scan3A_6 = arith.constant 5 : i32
    %scan3A_7 = arith.addi %scan3A_5, %scan3A_6 : i32
    %scan3A_8 = arith.constant 1 : i32
    scf.for %scan3A_21 = %scan3A_5 to %scan3A_7 step %scan3A_8  : i32 {
      %mul3A_22 = arith.constant 125 : i32
      %mul3A_23 = arith.muli %add3A, %mul3A_22 : i32
      %mul3A_24 = arith.constant 25 : i32
      %mul3A_25 = arith.muli %scan3A_21, %mul3A_24 : i32
      %add3A_26 = arith.addi %mul3A_23, %mul3A_25 : i32
      %gt3A = arith.constant 0 : i32
      %gt3A_27 = arith.cmpi sgt, %scan3A_21, %gt3A : i32
      %convert_element_type3A = arith.extui %gt3A_27 : i1 to i32
      %cond3A = arith.constant 0 : i32
      %cond3A_28 = arith.cmpi ne, %convert_element_type3A, %cond3A : i32
      scf.if %cond3A_28 {
        %dma_wait3A_35 = arith.constant 24 : i32
        %dma_wait3A_36 = arith.constant 0 : i32
        %dma_wait3A_37 = tpu.memref_slice %arg6[%dma_wait3A_35, %dma_wait3A_36] : memref<32x80xi32, #tpu.memory_space<vmem>> -> memref<1x80xi32, #tpu.memory_space<vmem>>
        %dma_wait3A_38 = tpu.memref_squeeze %dma_wait3A_37 : memref<1x80xi32, #tpu.memory_space<vmem>> -> memref<80xi32, #tpu.memory_space<vmem>>
        %dma_wait3A_39 = arith.constant 0 : i32
        %dma_wait3A_40 = arith.constant 0 : i32
        %dma_wait3A_41 = tpu.memref_slice %arg8[%dma_wait3A_39, %dma_wait3A_40] : memref<10240x128xf32, #tpu.memory_space<vmem_shared>> -> memref<10240x128xf32, #tpu.memory_space<vmem_shared>>
        tpu.wait_indirect_dma semaphore(%arg9 : memref<!tpu.dma_semaphore, #tpu.memory_space<semaphore_mem>>) src(%arg7 : memref<80x128xf32, #tpu.memory_space<vmem>>) dst(%dma_wait3A_41 : memref<10240x128xf32, #tpu.memory_space<vmem_shared>>)
      } else {
      }
      "tpu.region"() ({
        %run_scoped3A = tpu.sem_alloc : memref<!tpu.dma_semaphore, #tpu.memory_space<semaphore_mem>>
        %dma_start3A = arith.constant 0 : i32
        %dma_start3A_35 = arith.constant 0 : i32
        %dma_start3A_36 = tpu.memref_slice %arg3[%add3A, %scan3A_21, %dma_start3A, %dma_start3A_35] : memref<32x5x32x80xi32, #tpu.memory_space<hbm>> -> memref<1x1x32x80xi32, #tpu.memory_space<hbm>>
        %dma_start3A_37 = tpu.memref_squeeze %dma_start3A_36 : memref<1x1x32x80xi32, #tpu.memory_space<hbm>> -> memref<32x80xi32, #tpu.memory_space<hbm>>
        %dma_start3A_38 = arith.constant 0 : i32
        %dma_start3A_39 = arith.constant 0 : i32
        %dma_start3A_40 = tpu.memref_slice %arg3[%add3A, %scan3A_21, %dma_start3A_38, %dma_start3A_39] : memref<32x5x32x80xi32, #tpu.memory_space<hbm>> -> memref<1x1x32x80xi32, #tpu.memory_space<hbm>>
        %dma_start3A_41 = tpu.memref_squeeze %dma_start3A_40 : memref<1x1x32x80xi32, #tpu.memory_space<hbm>> -> memref<32x80xi32, #tpu.memory_space<hbm>>
        tpu.enqueue_dma source(%dma_start3A_41 : memref<32x80xi32, #tpu.memory_space<hbm>>) target(%arg6 : memref<32x80xi32, #tpu.memory_space<vmem>>) target_semaphore(%run_scoped3A : memref<!tpu.dma_semaphore, #tpu.memory_space<semaphore_mem>>)
        %dma_wait3A_42 = arith.constant 0 : i32
        %dma_wait3A_43 = arith.constant 0 : i32
        %dma_wait3A_44 = tpu.memref_slice %arg3[%add3A, %scan3A_21, %dma_wait3A_42, %dma_wait3A_43] : memref<32x5x32x80xi32, #tpu.memory_space<hbm>> -> memref<1x1x32x80xi32, #tpu.memory_space<hbm>>
        %dma_wait3A_45 = tpu.memref_squeeze %dma_wait3A_44 : memref<1x1x32x80xi32, #tpu.memory_space<hbm>> -> memref<32x80xi32, #tpu.memory_space<hbm>>
        %dma_wait3A_46 = arith.constant 0 : i32
        %dma_wait3A_47 = arith.constant 0 : i32
        %dma_wait3A_48 = tpu.memref_slice %arg3[%add3A, %scan3A_21, %dma_wait3A_46, %dma_wait3A_47] : memref<32x5x32x80xi32, #tpu.memory_space<hbm>> -> memref<1x1x32x80xi32, #tpu.memory_space<hbm>>
        %dma_wait3A_49 = tpu.memref_squeeze %dma_wait3A_48 : memref<1x1x32x80xi32, #tpu.memory_space<hbm>> -> memref<32x80xi32, #tpu.memory_space<hbm>>
        tpu.wait_dma2 semaphore(%run_scoped3A : memref<!tpu.dma_semaphore, #tpu.memory_space<semaphore_mem>>) src(%dma_wait3A_49 : memref<32x80xi32, #tpu.memory_space<hbm>>) dst(%arg6 : memref<32x80xi32, #tpu.memory_space<vmem>>)
        tpu.yield
      }) : () -> ()
      %scan3A_29 = arith.constant 0 : i32
      %scan3A_30 = arith.constant 0 : i32
      %scan3A_31 = arith.constant 25 : i32
      %scan3A_32 = arith.addi %scan3A_30, %scan3A_31 : i32
      %scan3A_33 = arith.constant 1 : i32
      scf.for %scan3A_35 = %scan3A_30 to %scan3A_32 step %scan3A_33  : i32 {
        %add3A_36 = arith.addi %add3A_26, %scan3A_35 : i32
        %mul3A_37 = arith.constant 80 : i32
        %mul3A_38 = arith.muli %add3A_36, %mul3A_37 : i32
        %gt3A_39 = arith.constant 0 : i32
        %gt3A_40 = arith.cmpi sgt, %scan3A_35, %gt3A_39 : i32
        %convert_element_type3A_41 = arith.extui %gt3A_40 : i1 to i32
        %cond3A_42 = arith.constant 0 : i32
        %cond3A_43 = arith.cmpi ne, %convert_element_type3A_41, %cond3A_42 : i32
        scf.if %cond3A_43 {
          %dma_wait3A_49 = arith.constant 0 : i32
          %dma_wait3A_50 = tpu.memref_slice %arg6[%scan3A_35, %dma_wait3A_49] : memref<32x80xi32, #tpu.memory_space<vmem>> -> memref<1x80xi32, #tpu.memory_space<vmem>>
          %dma_wait3A_51 = tpu.memref_squeeze %dma_wait3A_50 : memref<1x80xi32, #tpu.memory_space<vmem>> -> memref<80xi32, #tpu.memory_space<vmem>>
          %dma_wait3A_52 = arith.constant 0 : i32
          %dma_wait3A_53 = arith.constant 0 : i32
          %dma_wait3A_54 = tpu.memref_slice %arg8[%dma_wait3A_52, %dma_wait3A_53] : memref<10240x128xf32, #tpu.memory_space<vmem_shared>> -> memref<10240x128xf32, #tpu.memory_space<vmem_shared>>
          tpu.wait_indirect_dma semaphore(%arg9 : memref<!tpu.dma_semaphore, #tpu.memory_space<semaphore_mem>>) src(%arg7 : memref<80x128xf32, #tpu.memory_space<vmem>>) dst(%dma_wait3A_54 : memref<10240x128xf32, #tpu.memory_space<vmem_shared>>)
        } else {
        }
        "tpu.region"() ({
          %run_scoped3A = tpu.sem_alloc : memref<!tpu.dma_semaphore, #tpu.memory_space<semaphore_mem>>
          %dma_start3A_49 = arith.constant 0 : i32
          %dma_start3A_50 = tpu.memref_slice %arg2[%mul3A_38, %dma_start3A_49] : memref<320000x128xf32, #tpu.memory_space<hbm>> -> memref<80x128xf32, #tpu.memory_space<hbm>>
          %dma_start3A_51 = arith.constant 0 : i32
          %dma_start3A_52 = tpu.memref_slice %arg2[%mul3A_38, %dma_start3A_51] : memref<320000x128xf32, #tpu.memory_space<hbm>> -> memref<80x128xf32, #tpu.memory_space<hbm>>
          tpu.enqueue_dma source(%dma_start3A_52 : memref<80x128xf32, #tpu.memory_space<hbm>>) target(%arg7 : memref<80x128xf32, #tpu.memory_space<vmem>>) target_semaphore(%run_scoped3A : memref<!tpu.dma_semaphore, #tpu.memory_space<semaphore_mem>>)
          %dma_wait3A_53 = arith.constant 0 : i32
          %dma_wait3A_54 = tpu.memref_slice %arg2[%mul3A_38, %dma_wait3A_53] : memref<320000x128xf32, #tpu.memory_space<hbm>> -> memref<80x128xf32, #tpu.memory_space<hbm>>
          %dma_wait3A_55 = arith.constant 0 : i32
          %dma_wait3A_56 = tpu.memref_slice %arg2[%mul3A_38, %dma_wait3A_55] : memref<320000x128xf32, #tpu.memory_space<hbm>> -> memref<80x128xf32, #tpu.memory_space<hbm>>
          tpu.wait_dma2 semaphore(%run_scoped3A : memref<!tpu.dma_semaphore, #tpu.memory_space<semaphore_mem>>) src(%dma_wait3A_56 : memref<80x128xf32, #tpu.memory_space<hbm>>) dst(%arg7 : memref<80x128xf32, #tpu.memory_space<vmem>>)
          tpu.yield
        }) : () -> ()
        %dma_start3A = arith.constant 0 : i32
        %dma_start3A_44 = tpu.memref_slice %arg6[%scan3A_35, %dma_start3A] : memref<32x80xi32, #tpu.memory_space<vmem>> -> memref<1x80xi32, #tpu.memory_space<vmem>>
        %dma_start3A_45 = tpu.memref_squeeze %dma_start3A_44 : memref<1x80xi32, #tpu.memory_space<vmem>> -> memref<80xi32, #tpu.memory_space<vmem>>
        %dma_start3A_46 = arith.constant 0 : i32
        %dma_start3A_47 = arith.constant 0 : i32
        %dma_start3A_48 = tpu.memref_slice %arg8[%dma_start3A_46, %dma_start3A_47] : memref<10240x128xf32, #tpu.memory_space<vmem_shared>> -> memref<10240x128xf32, #tpu.memory_space<vmem_shared>>
        tpu.enqueue_indirect_dma source(%arg7 : memref<80x128xf32, #tpu.memory_space<vmem>>) target(%dma_start3A_48 : memref<10240x128xf32, #tpu.memory_space<vmem_shared>>) offsets(%dma_start3A_45 : memref<80xi32, #tpu.memory_space<vmem>>) semaphore(%arg9 : memref<!tpu.dma_semaphore, #tpu.memory_space<semaphore_mem>>) {add = true}
      }
      %scan3A_34 = arith.constant 25 : i32
    }
    %scan3A_9 = arith.constant 5 : i32
    %dma_wait3A = arith.constant 24 : i32
    %dma_wait3A_10 = arith.constant 0 : i32
    %dma_wait3A_11 = tpu.memref_slice %arg6[%dma_wait3A, %dma_wait3A_10] : memref<32x80xi32, #tpu.memory_space<vmem>> -> memref<1x80xi32, #tpu.memory_space<vmem>>
    %dma_wait3A_12 = tpu.memref_squeeze %dma_wait3A_11 : memref<1x80xi32, #tpu.memory_space<vmem>> -> memref<80xi32, #tpu.memory_space<vmem>>
    %dma_wait3A_13 = arith.constant 0 : i32
    %dma_wait3A_14 = arith.constant 0 : i32
    %dma_wait3A_15 = tpu.memref_slice %arg8[%dma_wait3A_13, %dma_wait3A_14] : memref<10240x128xf32, #tpu.memory_space<vmem_shared>> -> memref<10240x128xf32, #tpu.memory_space<vmem_shared>>
    tpu.wait_indirect_dma semaphore(%arg9 : memref<!tpu.dma_semaphore, #tpu.memory_space<semaphore_mem>>) src(%arg7 : memref<80x128xf32, #tpu.memory_space<vmem>>) dst(%dma_wait3A_15 : memref<10240x128xf32, #tpu.memory_space<vmem_shared>>)
    %barrier3A_16 = arith.constant 0 : index
    tpu.barrier barrier_id(%barrier3A_16)
    %mul3A_17 = arith.constant 640 : i32
    %mul3A_18 = arith.muli %arg1, %mul3A_17 : i32
    %mul3A_19 = arith.constant 640 : i32
    %mul3A_20 = arith.muli %arg1, %mul3A_19 : i32
    "tpu.region"() ({
      %run_scoped3A = tpu.sem_alloc : memref<!tpu.dma_semaphore, #tpu.memory_space<semaphore_mem>>
      %dma_start3A = arith.constant 0 : i32
      %dma_start3A_21 = tpu.memref_slice %arg5[%arg0, %mul3A_20, %dma_start3A] : memref<2x10240x128xf32, #tpu.memory_space<hbm>> -> memref<1x640x128xf32, #tpu.memory_space<hbm>>
      %dma_start3A_22 = tpu.memref_squeeze %dma_start3A_21 : memref<1x640x128xf32, #tpu.memory_space<hbm>> -> memref<640x128xf32, #tpu.memory_space<hbm>>
      %dma_start3A_23 = arith.constant 0 : i32
      %dma_start3A_24 = tpu.memref_slice %arg8[%mul3A_18, %dma_start3A_23] : memref<10240x128xf32, #tpu.memory_space<vmem_shared>> -> memref<640x128xf32, #tpu.memory_space<vmem_shared>>
      tpu.enqueue_dma source(%dma_start3A_24 : memref<640x128xf32, #tpu.memory_space<vmem_shared>>) target(%dma_start3A_22 : memref<640x128xf32, #tpu.memory_space<hbm>>) target_semaphore(%run_scoped3A : memref<!tpu.dma_semaphore, #tpu.memory_space<semaphore_mem>>)
      %dma_wait3A_25 = arith.constant 0 : i32
      %dma_wait3A_26 = tpu.memref_slice %arg5[%arg0, %mul3A_20, %dma_wait3A_25] : memref<2x10240x128xf32, #tpu.memory_space<hbm>> -> memref<1x640x128xf32, #tpu.memory_space<hbm>>
      %dma_wait3A_27 = tpu.memref_squeeze %dma_wait3A_26 : memref<1x640x128xf32, #tpu.memory_space<hbm>> -> memref<640x128xf32, #tpu.memory_space<hbm>>
      %dma_wait3A_28 = arith.constant 0 : i32
      %dma_wait3A_29 = tpu.memref_slice %arg8[%mul3A_18, %dma_wait3A_28] : memref<10240x128xf32, #tpu.memory_space<vmem_shared>> -> memref<640x128xf32, #tpu.memory_space<vmem_shared>>
      tpu.wait_dma2 semaphore(%run_scoped3A : memref<!tpu.dma_semaphore, #tpu.memory_space<semaphore_mem>>) src(%dma_wait3A_29 : memref<640x128xf32, #tpu.memory_space<vmem_shared>>) dst(%dma_wait3A_27 : memref<640x128xf32, #tpu.memory_space<hbm>>)
      tpu.yield
    }) : () -> ()
    return
  }
}

#map = affine_map<(d0, d1) -> (0, 0)>
#map1 = affine_map<(d0, d1) -> (0, 0, 0, 0)>
module attributes {stable_mosaic.version = 14 : i64} {
  func.func @k(%arg0: i32, %arg1: i32, %arg2: memref<10000x128xf32, #tpu.memory_space<hbm>>, %arg3: memref<10000x128xf32, #tpu.memory_space<hbm>>, %arg4: memref<10000x128xf32, #tpu.memory_space<hbm>>, %arg5: memref<10000x128xf32, #tpu.memory_space<hbm>>, %arg6: memref<32x5x32x80xi32, #tpu.memory_space<hbm>>, %arg7: memref<32x5x32x80xi32, #tpu.memory_space<hbm>>, %arg8: memref<320000x128xf32, #tpu.memory_space<hbm>>, %arg9: memref<320000x128xf32, #tpu.memory_space<hbm>>, %arg10: memref<320000x128xf32, #tpu.memory_space<hbm>>, %arg11: memref<320000x128xf32, #tpu.memory_space<hbm>>, %arg12: memref<32x80xi32, #tpu.memory_space<vmem>>, %arg13: memref<32x80xi32, #tpu.memory_space<vmem>>, %arg14: memref<80x128xf32, #tpu.memory_space<vmem>>, %arg15: memref<80x128xf32, #tpu.memory_space<vmem>>, %arg16: memref<80x128xf32, #tpu.memory_space<vmem>>, %arg17: memref<80x128xf32, #tpu.memory_space<vmem>>, %arg18: memref<!tpu.dma_semaphore, #tpu.memory_space<semaphore_mem>>, %arg19: memref<!tpu.dma_semaphore, #tpu.memory_space<semaphore_mem>>, %arg20: memref<!tpu.dma_semaphore, #tpu.memory_space<semaphore_mem>>, %arg21: memref<!tpu.dma_semaphore, #tpu.memory_space<semaphore_mem>>, %arg22: memref<!tpu.dma_semaphore, #tpu.memory_space<semaphore_mem>>, %arg23: memref<!tpu.dma_semaphore, #tpu.memory_space<semaphore_mem>>, %arg24: memref<!tpu.dma_semaphore, #tpu.memory_space<semaphore_mem>>, %arg25: memref<!tpu.dma_semaphore, #tpu.memory_space<semaphore_mem>>) attributes {dimension_semantics = [#tpu.dimension_semantics<core_parallel>, #tpu.dimension_semantics<subcore_parallel>], iteration_bounds = array<i64: 2, 16>, scalar_prefetch = 0 : i64, scratch_operands = 14 : i64, tpu.core_type = #tpu.core_type<sc_vector_subcore>, window_params = [{transform_indices = #map}, {transform_indices = #map}, {transform_indices = #map}, {transform_indices = #map}, {transform_indices = #map1}, {transform_indices = #map1}, {transform_indices = #map}, {transform_indices = #map}, {transform_indices = #map}, {transform_indices = #map}]} {
    %mul3A = arith.constant 2 : i32
    %mul3A_0 = arith.muli %arg1, %mul3A : i32
    %add3A = arith.addi %mul3A_0, %arg0 : i32
    %scan3A = arith.constant 0 : i32
    %scan3A_1 = arith.constant 0 : i32
    %scan3A_2 = arith.constant 5 : i32
    %scan3A_3 = arith.addi %scan3A_1, %scan3A_2 : i32
    %scan3A_4 = arith.constant 1 : i32
    scf.for %scan3A_26 = %scan3A_1 to %scan3A_3 step %scan3A_4  : i32 {
      %mul3A_27 = arith.constant 125 : i32
      %mul3A_28 = arith.muli %add3A, %mul3A_27 : i32
      %mul3A_29 = arith.constant 25 : i32
      %mul3A_30 = arith.muli %scan3A_26, %mul3A_29 : i32
      %add3A_31 = arith.addi %mul3A_28, %mul3A_30 : i32
      "tpu.region"() ({
        %run_scoped3A = tpu.sem_alloc : memref<!tpu.dma_semaphore, #tpu.memory_space<semaphore_mem>>
        %dma_start3A = arith.constant 0 : i32
        %dma_start3A_38 = arith.constant 0 : i32
        %dma_start3A_39 = tpu.memref_slice %arg6[%add3A, %scan3A_26, %dma_start3A, %dma_start3A_38] : memref<32x5x32x80xi32, #tpu.memory_space<hbm>> -> memref<1x1x32x80xi32, #tpu.memory_space<hbm>>
        %dma_start3A_40 = tpu.memref_squeeze %dma_start3A_39 : memref<1x1x32x80xi32, #tpu.memory_space<hbm>> -> memref<32x80xi32, #tpu.memory_space<hbm>>
        %dma_start3A_41 = arith.constant 0 : i32
        %dma_start3A_42 = arith.constant 0 : i32
        %dma_start3A_43 = tpu.memref_slice %arg6[%add3A, %scan3A_26, %dma_start3A_41, %dma_start3A_42] : memref<32x5x32x80xi32, #tpu.memory_space<hbm>> -> memref<1x1x32x80xi32, #tpu.memory_space<hbm>>
        %dma_start3A_44 = tpu.memref_squeeze %dma_start3A_43 : memref<1x1x32x80xi32, #tpu.memory_space<hbm>> -> memref<32x80xi32, #tpu.memory_space<hbm>>
        tpu.enqueue_dma source(%dma_start3A_44 : memref<32x80xi32, #tpu.memory_space<hbm>>) target(%arg12 : memref<32x80xi32, #tpu.memory_space<vmem>>) target_semaphore(%run_scoped3A : memref<!tpu.dma_semaphore, #tpu.memory_space<semaphore_mem>>)
        %dma_wait3A_45 = arith.constant 0 : i32
        %dma_wait3A_46 = arith.constant 0 : i32
        %dma_wait3A_47 = tpu.memref_slice %arg6[%add3A, %scan3A_26, %dma_wait3A_45, %dma_wait3A_46] : memref<32x5x32x80xi32, #tpu.memory_space<hbm>> -> memref<1x1x32x80xi32, #tpu.memory_space<hbm>>
        %dma_wait3A_48 = tpu.memref_squeeze %dma_wait3A_47 : memref<1x1x32x80xi32, #tpu.memory_space<hbm>> -> memref<32x80xi32, #tpu.memory_space<hbm>>
        %dma_wait3A_49 = arith.constant 0 : i32
        %dma_wait3A_50 = arith.constant 0 : i32
        %dma_wait3A_51 = tpu.memref_slice %arg6[%add3A, %scan3A_26, %dma_wait3A_49, %dma_wait3A_50] : memref<32x5x32x80xi32, #tpu.memory_space<hbm>> -> memref<1x1x32x80xi32, #tpu.memory_space<hbm>>
        %dma_wait3A_52 = tpu.memref_squeeze %dma_wait3A_51 : memref<1x1x32x80xi32, #tpu.memory_space<hbm>> -> memref<32x80xi32, #tpu.memory_space<hbm>>
        tpu.wait_dma2 semaphore(%run_scoped3A : memref<!tpu.dma_semaphore, #tpu.memory_space<semaphore_mem>>) src(%dma_wait3A_52 : memref<32x80xi32, #tpu.memory_space<hbm>>) dst(%arg12 : memref<32x80xi32, #tpu.memory_space<vmem>>)
        tpu.yield
      }) : () -> ()
      "tpu.region"() ({
        %run_scoped3A = tpu.sem_alloc : memref<!tpu.dma_semaphore, #tpu.memory_space<semaphore_mem>>
        %dma_start3A = arith.constant 0 : i32
        %dma_start3A_38 = arith.constant 0 : i32
        %dma_start3A_39 = tpu.memref_slice %arg7[%add3A, %scan3A_26, %dma_start3A, %dma_start3A_38] : memref<32x5x32x80xi32, #tpu.memory_space<hbm>> -> memref<1x1x32x80xi32, #tpu.memory_space<hbm>>
        %dma_start3A_40 = tpu.memref_squeeze %dma_start3A_39 : memref<1x1x32x80xi32, #tpu.memory_space<hbm>> -> memref<32x80xi32, #tpu.memory_space<hbm>>
        %dma_start3A_41 = arith.constant 0 : i32
        %dma_start3A_42 = arith.constant 0 : i32
        %dma_start3A_43 = tpu.memref_slice %arg7[%add3A, %scan3A_26, %dma_start3A_41, %dma_start3A_42] : memref<32x5x32x80xi32, #tpu.memory_space<hbm>> -> memref<1x1x32x80xi32, #tpu.memory_space<hbm>>
        %dma_start3A_44 = tpu.memref_squeeze %dma_start3A_43 : memref<1x1x32x80xi32, #tpu.memory_space<hbm>> -> memref<32x80xi32, #tpu.memory_space<hbm>>
        tpu.enqueue_dma source(%dma_start3A_44 : memref<32x80xi32, #tpu.memory_space<hbm>>) target(%arg13 : memref<32x80xi32, #tpu.memory_space<vmem>>) target_semaphore(%run_scoped3A : memref<!tpu.dma_semaphore, #tpu.memory_space<semaphore_mem>>)
        %dma_wait3A_45 = arith.constant 0 : i32
        %dma_wait3A_46 = arith.constant 0 : i32
        %dma_wait3A_47 = tpu.memref_slice %arg7[%add3A, %scan3A_26, %dma_wait3A_45, %dma_wait3A_46] : memref<32x5x32x80xi32, #tpu.memory_space<hbm>> -> memref<1x1x32x80xi32, #tpu.memory_space<hbm>>
        %dma_wait3A_48 = tpu.memref_squeeze %dma_wait3A_47 : memref<1x1x32x80xi32, #tpu.memory_space<hbm>> -> memref<32x80xi32, #tpu.memory_space<hbm>>
        %dma_wait3A_49 = arith.constant 0 : i32
        %dma_wait3A_50 = arith.constant 0 : i32
        %dma_wait3A_51 = tpu.memref_slice %arg7[%add3A, %scan3A_26, %dma_wait3A_49, %dma_wait3A_50] : memref<32x5x32x80xi32, #tpu.memory_space<hbm>> -> memref<1x1x32x80xi32, #tpu.memory_space<hbm>>
        %dma_wait3A_52 = tpu.memref_squeeze %dma_wait3A_51 : memref<1x1x32x80xi32, #tpu.memory_space<hbm>> -> memref<32x80xi32, #tpu.memory_space<hbm>>
        tpu.wait_dma2 semaphore(%run_scoped3A : memref<!tpu.dma_semaphore, #tpu.memory_space<semaphore_mem>>) src(%dma_wait3A_52 : memref<32x80xi32, #tpu.memory_space<hbm>>) dst(%arg13 : memref<32x80xi32, #tpu.memory_space<vmem>>)
        tpu.yield
      }) : () -> ()
      %scan3A_32 = arith.constant 0 : i32
      %scan3A_33 = arith.constant 0 : i32
      %scan3A_34 = arith.constant 25 : i32
      %scan3A_35 = arith.addi %scan3A_33, %scan3A_34 : i32
      %scan3A_36 = arith.constant 1 : i32
      scf.for %scan3A_38 = %scan3A_33 to %scan3A_35 step %scan3A_36  : i32 {
        %add3A_39 = arith.addi %add3A_31, %scan3A_38 : i32
        %mul3A_40 = arith.constant 80 : i32
        %mul3A_41 = arith.muli %add3A_39, %mul3A_40 : i32
        %gt3A = arith.constant 0 : i32
        %gt3A_42 = arith.cmpi sgt, %scan3A_26, %gt3A : i32
        %gt3A_43 = arith.constant 0 : i32
        %gt3A_44 = arith.cmpi sgt, %scan3A_38, %gt3A_43 : i32
        %or3A = arith.ori %gt3A_42, %gt3A_44 : i1
        %convert_element_type3A = arith.extui %or3A : i1 to i32
        %cond3A = arith.constant 0 : i32
        %cond3A_45 = arith.cmpi ne, %convert_element_type3A, %cond3A : i32
        scf.if %cond3A_45 {
          %dma_wait3A_109 = arith.constant 0 : i32
          %dma_wait3A_110 = tpu.memref_slice %arg8[%mul3A_41, %dma_wait3A_109] : memref<320000x128xf32, #tpu.memory_space<hbm>> -> memref<80x128xf32, #tpu.memory_space<hbm>>
          %dma_wait3A_111 = arith.constant 0 : i32
          %dma_wait3A_112 = tpu.memref_slice %arg8[%mul3A_41, %dma_wait3A_111] : memref<320000x128xf32, #tpu.memory_space<hbm>> -> memref<80x128xf32, #tpu.memory_space<hbm>>
          tpu.wait_dma2 semaphore(%arg22 : memref<!tpu.dma_semaphore, #tpu.memory_space<semaphore_mem>>) src(%arg14 : memref<80x128xf32, #tpu.memory_space<vmem>>) dst(%dma_wait3A_112 : memref<80x128xf32, #tpu.memory_space<hbm>>)
          %dma_wait3A_113 = arith.constant 0 : i32
          %dma_wait3A_114 = tpu.memref_slice %arg9[%mul3A_41, %dma_wait3A_113] : memref<320000x128xf32, #tpu.memory_space<hbm>> -> memref<80x128xf32, #tpu.memory_space<hbm>>
          %dma_wait3A_115 = arith.constant 0 : i32
          %dma_wait3A_116 = tpu.memref_slice %arg9[%mul3A_41, %dma_wait3A_115] : memref<320000x128xf32, #tpu.memory_space<hbm>> -> memref<80x128xf32, #tpu.memory_space<hbm>>
          tpu.wait_dma2 semaphore(%arg23 : memref<!tpu.dma_semaphore, #tpu.memory_space<semaphore_mem>>) src(%arg15 : memref<80x128xf32, #tpu.memory_space<vmem>>) dst(%dma_wait3A_116 : memref<80x128xf32, #tpu.memory_space<hbm>>)
          %dma_wait3A_117 = arith.constant 0 : i32
          %dma_wait3A_118 = tpu.memref_slice %arg10[%mul3A_41, %dma_wait3A_117] : memref<320000x128xf32, #tpu.memory_space<hbm>> -> memref<80x128xf32, #tpu.memory_space<hbm>>
          %dma_wait3A_119 = arith.constant 0 : i32
          %dma_wait3A_120 = tpu.memref_slice %arg10[%mul3A_41, %dma_wait3A_119] : memref<320000x128xf32, #tpu.memory_space<hbm>> -> memref<80x128xf32, #tpu.memory_space<hbm>>
          tpu.wait_dma2 semaphore(%arg24 : memref<!tpu.dma_semaphore, #tpu.memory_space<semaphore_mem>>) src(%arg16 : memref<80x128xf32, #tpu.memory_space<vmem>>) dst(%dma_wait3A_120 : memref<80x128xf32, #tpu.memory_space<hbm>>)
          %dma_wait3A_121 = arith.constant 0 : i32
          %dma_wait3A_122 = tpu.memref_slice %arg11[%mul3A_41, %dma_wait3A_121] : memref<320000x128xf32, #tpu.memory_space<hbm>> -> memref<80x128xf32, #tpu.memory_space<hbm>>
          %dma_wait3A_123 = arith.constant 0 : i32
          %dma_wait3A_124 = tpu.memref_slice %arg11[%mul3A_41, %dma_wait3A_123] : memref<320000x128xf32, #tpu.memory_space<hbm>> -> memref<80x128xf32, #tpu.memory_space<hbm>>
          tpu.wait_dma2 semaphore(%arg25 : memref<!tpu.dma_semaphore, #tpu.memory_space<semaphore_mem>>) src(%arg17 : memref<80x128xf32, #tpu.memory_space<vmem>>) dst(%dma_wait3A_124 : memref<80x128xf32, #tpu.memory_space<hbm>>)
        } else {
        }
        %dma_start3A = arith.constant 0 : i32
        %dma_start3A_46 = tpu.memref_slice %arg12[%scan3A_38, %dma_start3A] : memref<32x80xi32, #tpu.memory_space<vmem>> -> memref<1x80xi32, #tpu.memory_space<vmem>>
        %dma_start3A_47 = tpu.memref_squeeze %dma_start3A_46 : memref<1x80xi32, #tpu.memory_space<vmem>> -> memref<80xi32, #tpu.memory_space<vmem>>
        %dma_start3A_48 = arith.constant 0 : i32
        %dma_start3A_49 = arith.constant 0 : i32
        %dma_start3A_50 = tpu.memref_slice %arg2[%dma_start3A_48, %dma_start3A_49] : memref<10000x128xf32, #tpu.memory_space<hbm>> -> memref<10000x128xf32, #tpu.memory_space<hbm>>
        tpu.enqueue_indirect_dma source(%dma_start3A_50 : memref<10000x128xf32, #tpu.memory_space<hbm>>) target(%arg14 : memref<80x128xf32, #tpu.memory_space<vmem>>) offsets(%dma_start3A_47 : memref<80xi32, #tpu.memory_space<vmem>>) semaphore(%arg18 : memref<!tpu.dma_semaphore, #tpu.memory_space<semaphore_mem>>)
        %dma_start3A_51 = arith.constant 0 : i32
        %dma_start3A_52 = tpu.memref_slice %arg12[%scan3A_38, %dma_start3A_51] : memref<32x80xi32, #tpu.memory_space<vmem>> -> memref<1x80xi32, #tpu.memory_space<vmem>>
        %dma_start3A_53 = tpu.memref_squeeze %dma_start3A_52 : memref<1x80xi32, #tpu.memory_space<vmem>> -> memref<80xi32, #tpu.memory_space<vmem>>
        %dma_start3A_54 = arith.constant 0 : i32
        %dma_start3A_55 = arith.constant 0 : i32
        %dma_start3A_56 = tpu.memref_slice %arg3[%dma_start3A_54, %dma_start3A_55] : memref<10000x128xf32, #tpu.memory_space<hbm>> -> memref<10000x128xf32, #tpu.memory_space<hbm>>
        tpu.enqueue_indirect_dma source(%dma_start3A_56 : memref<10000x128xf32, #tpu.memory_space<hbm>>) target(%arg15 : memref<80x128xf32, #tpu.memory_space<vmem>>) offsets(%dma_start3A_53 : memref<80xi32, #tpu.memory_space<vmem>>) semaphore(%arg19 : memref<!tpu.dma_semaphore, #tpu.memory_space<semaphore_mem>>)
        %dma_start3A_57 = arith.constant 0 : i32
        %dma_start3A_58 = tpu.memref_slice %arg13[%scan3A_38, %dma_start3A_57] : memref<32x80xi32, #tpu.memory_space<vmem>> -> memref<1x80xi32, #tpu.memory_space<vmem>>
        %dma_start3A_59 = tpu.memref_squeeze %dma_start3A_58 : memref<1x80xi32, #tpu.memory_space<vmem>> -> memref<80xi32, #tpu.memory_space<vmem>>
        %dma_start3A_60 = arith.constant 0 : i32
        %dma_start3A_61 = arith.constant 0 : i32
        %dma_start3A_62 = tpu.memref_slice %arg4[%dma_start3A_60, %dma_start3A_61] : memref<10000x128xf32, #tpu.memory_space<hbm>> -> memref<10000x128xf32, #tpu.memory_space<hbm>>
        tpu.enqueue_indirect_dma source(%dma_start3A_62 : memref<10000x128xf32, #tpu.memory_space<hbm>>) target(%arg16 : memref<80x128xf32, #tpu.memory_space<vmem>>) offsets(%dma_start3A_59 : memref<80xi32, #tpu.memory_space<vmem>>) semaphore(%arg20 : memref<!tpu.dma_semaphore, #tpu.memory_space<semaphore_mem>>)
        %dma_start3A_63 = arith.constant 0 : i32
        %dma_start3A_64 = tpu.memref_slice %arg13[%scan3A_38, %dma_start3A_63] : memref<32x80xi32, #tpu.memory_space<vmem>> -> memref<1x80xi32, #tpu.memory_space<vmem>>
        %dma_start3A_65 = tpu.memref_squeeze %dma_start3A_64 : memref<1x80xi32, #tpu.memory_space<vmem>> -> memref<80xi32, #tpu.memory_space<vmem>>
        %dma_start3A_66 = arith.constant 0 : i32
        %dma_start3A_67 = arith.constant 0 : i32
        %dma_start3A_68 = tpu.memref_slice %arg5[%dma_start3A_66, %dma_start3A_67] : memref<10000x128xf32, #tpu.memory_space<hbm>> -> memref<10000x128xf32, #tpu.memory_space<hbm>>
        tpu.enqueue_indirect_dma source(%dma_start3A_68 : memref<10000x128xf32, #tpu.memory_space<hbm>>) target(%arg17 : memref<80x128xf32, #tpu.memory_space<vmem>>) offsets(%dma_start3A_65 : memref<80xi32, #tpu.memory_space<vmem>>) semaphore(%arg21 : memref<!tpu.dma_semaphore, #tpu.memory_space<semaphore_mem>>)
        %dma_wait3A_69 = arith.constant 0 : i32
        %dma_wait3A_70 = tpu.memref_slice %arg12[%scan3A_38, %dma_wait3A_69] : memref<32x80xi32, #tpu.memory_space<vmem>> -> memref<1x80xi32, #tpu.memory_space<vmem>>
        %dma_wait3A_71 = tpu.memref_squeeze %dma_wait3A_70 : memref<1x80xi32, #tpu.memory_space<vmem>> -> memref<80xi32, #tpu.memory_space<vmem>>
        %dma_wait3A_72 = arith.constant 0 : i32
        %dma_wait3A_73 = arith.constant 0 : i32
        %dma_wait3A_74 = tpu.memref_slice %arg2[%dma_wait3A_72, %dma_wait3A_73] : memref<10000x128xf32, #tpu.memory_space<hbm>> -> memref<10000x128xf32, #tpu.memory_space<hbm>>
        tpu.wait_indirect_dma semaphore(%arg18 : memref<!tpu.dma_semaphore, #tpu.memory_space<semaphore_mem>>) src(%dma_wait3A_74 : memref<10000x128xf32, #tpu.memory_space<hbm>>) dst(%arg14 : memref<80x128xf32, #tpu.memory_space<vmem>>)
        %dma_wait3A_75 = arith.constant 0 : i32
        %dma_wait3A_76 = tpu.memref_slice %arg12[%scan3A_38, %dma_wait3A_75] : memref<32x80xi32, #tpu.memory_space<vmem>> -> memref<1x80xi32, #tpu.memory_space<vmem>>
        %dma_wait3A_77 = tpu.memref_squeeze %dma_wait3A_76 : memref<1x80xi32, #tpu.memory_space<vmem>> -> memref<80xi32, #tpu.memory_space<vmem>>
        %dma_wait3A_78 = arith.constant 0 : i32
        %dma_wait3A_79 = arith.constant 0 : i32
        %dma_wait3A_80 = tpu.memref_slice %arg3[%dma_wait3A_78, %dma_wait3A_79] : memref<10000x128xf32, #tpu.memory_space<hbm>> -> memref<10000x128xf32, #tpu.memory_space<hbm>>
        tpu.wait_indirect_dma semaphore(%arg19 : memref<!tpu.dma_semaphore, #tpu.memory_space<semaphore_mem>>) src(%dma_wait3A_80 : memref<10000x128xf32, #tpu.memory_space<hbm>>) dst(%arg15 : memref<80x128xf32, #tpu.memory_space<vmem>>)
        %dma_wait3A_81 = arith.constant 0 : i32
        %dma_wait3A_82 = tpu.memref_slice %arg13[%scan3A_38, %dma_wait3A_81] : memref<32x80xi32, #tpu.memory_space<vmem>> -> memref<1x80xi32, #tpu.memory_space<vmem>>
        %dma_wait3A_83 = tpu.memref_squeeze %dma_wait3A_82 : memref<1x80xi32, #tpu.memory_space<vmem>> -> memref<80xi32, #tpu.memory_space<vmem>>
        %dma_wait3A_84 = arith.constant 0 : i32
        %dma_wait3A_85 = arith.constant 0 : i32
        %dma_wait3A_86 = tpu.memref_slice %arg4[%dma_wait3A_84, %dma_wait3A_85] : memref<10000x128xf32, #tpu.memory_space<hbm>> -> memref<10000x128xf32, #tpu.memory_space<hbm>>
        tpu.wait_indirect_dma semaphore(%arg20 : memref<!tpu.dma_semaphore, #tpu.memory_space<semaphore_mem>>) src(%dma_wait3A_86 : memref<10000x128xf32, #tpu.memory_space<hbm>>) dst(%arg16 : memref<80x128xf32, #tpu.memory_space<vmem>>)
        %dma_wait3A_87 = arith.constant 0 : i32
        %dma_wait3A_88 = tpu.memref_slice %arg13[%scan3A_38, %dma_wait3A_87] : memref<32x80xi32, #tpu.memory_space<vmem>> -> memref<1x80xi32, #tpu.memory_space<vmem>>
        %dma_wait3A_89 = tpu.memref_squeeze %dma_wait3A_88 : memref<1x80xi32, #tpu.memory_space<vmem>> -> memref<80xi32, #tpu.memory_space<vmem>>
        %dma_wait3A_90 = arith.constant 0 : i32
        %dma_wait3A_91 = arith.constant 0 : i32
        %dma_wait3A_92 = tpu.memref_slice %arg5[%dma_wait3A_90, %dma_wait3A_91] : memref<10000x128xf32, #tpu.memory_space<hbm>> -> memref<10000x128xf32, #tpu.memory_space<hbm>>
        tpu.wait_indirect_dma semaphore(%arg21 : memref<!tpu.dma_semaphore, #tpu.memory_space<semaphore_mem>>) src(%dma_wait3A_92 : memref<10000x128xf32, #tpu.memory_space<hbm>>) dst(%arg17 : memref<80x128xf32, #tpu.memory_space<vmem>>)
        %dma_start3A_93 = arith.constant 0 : i32
        %dma_start3A_94 = tpu.memref_slice %arg8[%mul3A_41, %dma_start3A_93] : memref<320000x128xf32, #tpu.memory_space<hbm>> -> memref<80x128xf32, #tpu.memory_space<hbm>>
        %dma_start3A_95 = arith.constant 0 : i32
        %dma_start3A_96 = tpu.memref_slice %arg8[%mul3A_41, %dma_start3A_95] : memref<320000x128xf32, #tpu.memory_space<hbm>> -> memref<80x128xf32, #tpu.memory_space<hbm>>
        tpu.enqueue_dma source(%arg14 : memref<80x128xf32, #tpu.memory_space<vmem>>) target(%dma_start3A_96 : memref<80x128xf32, #tpu.memory_space<hbm>>) target_semaphore(%arg22 : memref<!tpu.dma_semaphore, #tpu.memory_space<semaphore_mem>>)
        %dma_start3A_97 = arith.constant 0 : i32
        %dma_start3A_98 = tpu.memref_slice %arg9[%mul3A_41, %dma_start3A_97] : memref<320000x128xf32, #tpu.memory_space<hbm>> -> memref<80x128xf32, #tpu.memory_space<hbm>>
        %dma_start3A_99 = arith.constant 0 : i32
        %dma_start3A_100 = tpu.memref_slice %arg9[%mul3A_41, %dma_start3A_99] : memref<320000x128xf32, #tpu.memory_space<hbm>> -> memref<80x128xf32, #tpu.memory_space<hbm>>
        tpu.enqueue_dma source(%arg15 : memref<80x128xf32, #tpu.memory_space<vmem>>) target(%dma_start3A_100 : memref<80x128xf32, #tpu.memory_space<hbm>>) target_semaphore(%arg23 : memref<!tpu.dma_semaphore, #tpu.memory_space<semaphore_mem>>)
        %dma_start3A_101 = arith.constant 0 : i32
        %dma_start3A_102 = tpu.memref_slice %arg10[%mul3A_41, %dma_start3A_101] : memref<320000x128xf32, #tpu.memory_space<hbm>> -> memref<80x128xf32, #tpu.memory_space<hbm>>
        %dma_start3A_103 = arith.constant 0 : i32
        %dma_start3A_104 = tpu.memref_slice %arg10[%mul3A_41, %dma_start3A_103] : memref<320000x128xf32, #tpu.memory_space<hbm>> -> memref<80x128xf32, #tpu.memory_space<hbm>>
        tpu.enqueue_dma source(%arg16 : memref<80x128xf32, #tpu.memory_space<vmem>>) target(%dma_start3A_104 : memref<80x128xf32, #tpu.memory_space<hbm>>) target_semaphore(%arg24 : memref<!tpu.dma_semaphore, #tpu.memory_space<semaphore_mem>>)
        %dma_start3A_105 = arith.constant 0 : i32
        %dma_start3A_106 = tpu.memref_slice %arg11[%mul3A_41, %dma_start3A_105] : memref<320000x128xf32, #tpu.memory_space<hbm>> -> memref<80x128xf32, #tpu.memory_space<hbm>>
        %dma_start3A_107 = arith.constant 0 : i32
        %dma_start3A_108 = tpu.memref_slice %arg11[%mul3A_41, %dma_start3A_107] : memref<320000x128xf32, #tpu.memory_space<hbm>> -> memref<80x128xf32, #tpu.memory_space<hbm>>
        tpu.enqueue_dma source(%arg17 : memref<80x128xf32, #tpu.memory_space<vmem>>) target(%dma_start3A_108 : memref<80x128xf32, #tpu.memory_space<hbm>>) target_semaphore(%arg25 : memref<!tpu.dma_semaphore, #tpu.memory_space<semaphore_mem>>)
      }
      %scan3A_37 = arith.constant 25 : i32
    }
    %scan3A_5 = arith.constant 5 : i32
    %add3A_6 = arith.constant 1 : i32
    %add3A_7 = arith.addi %add3A, %add3A_6 : i32
    %mul3A_8 = arith.constant 10000 : i32
    %mul3A_9 = arith.muli %add3A_7, %mul3A_8 : i32
    %sub3A = arith.constant 80 : i32
    %sub3A_10 = arith.subi %mul3A_9, %sub3A : i32
    %dma_wait3A = arith.constant 0 : i32
    %dma_wait3A_11 = tpu.memref_slice %arg8[%sub3A_10, %dma_wait3A] : memref<320000x128xf32, #tpu.memory_space<hbm>> -> memref<80x128xf32, #tpu.memory_space<hbm>>
    %dma_wait3A_12 = arith.constant 0 : i32
    %dma_wait3A_13 = tpu.memref_slice %arg8[%sub3A_10, %dma_wait3A_12] : memref<320000x128xf32, #tpu.memory_space<hbm>> -> memref<80x128xf32, #tpu.memory_space<hbm>>
    tpu.wait_dma2 semaphore(%arg22 : memref<!tpu.dma_semaphore, #tpu.memory_space<semaphore_mem>>) src(%arg14 : memref<80x128xf32, #tpu.memory_space<vmem>>) dst(%dma_wait3A_13 : memref<80x128xf32, #tpu.memory_space<hbm>>)
    %dma_wait3A_14 = arith.constant 0 : i32
    %dma_wait3A_15 = tpu.memref_slice %arg9[%sub3A_10, %dma_wait3A_14] : memref<320000x128xf32, #tpu.memory_space<hbm>> -> memref<80x128xf32, #tpu.memory_space<hbm>>
    %dma_wait3A_16 = arith.constant 0 : i32
    %dma_wait3A_17 = tpu.memref_slice %arg9[%sub3A_10, %dma_wait3A_16] : memref<320000x128xf32, #tpu.memory_space<hbm>> -> memref<80x128xf32, #tpu.memory_space<hbm>>
    tpu.wait_dma2 semaphore(%arg23 : memref<!tpu.dma_semaphore, #tpu.memory_space<semaphore_mem>>) src(%arg15 : memref<80x128xf32, #tpu.memory_space<vmem>>) dst(%dma_wait3A_17 : memref<80x128xf32, #tpu.memory_space<hbm>>)
    %dma_wait3A_18 = arith.constant 0 : i32
    %dma_wait3A_19 = tpu.memref_slice %arg10[%sub3A_10, %dma_wait3A_18] : memref<320000x128xf32, #tpu.memory_space<hbm>> -> memref<80x128xf32, #tpu.memory_space<hbm>>
    %dma_wait3A_20 = arith.constant 0 : i32
    %dma_wait3A_21 = tpu.memref_slice %arg10[%sub3A_10, %dma_wait3A_20] : memref<320000x128xf32, #tpu.memory_space<hbm>> -> memref<80x128xf32, #tpu.memory_space<hbm>>
    tpu.wait_dma2 semaphore(%arg24 : memref<!tpu.dma_semaphore, #tpu.memory_space<semaphore_mem>>) src(%arg16 : memref<80x128xf32, #tpu.memory_space<vmem>>) dst(%dma_wait3A_21 : memref<80x128xf32, #tpu.memory_space<hbm>>)
    %dma_wait3A_22 = arith.constant 0 : i32
    %dma_wait3A_23 = tpu.memref_slice %arg11[%sub3A_10, %dma_wait3A_22] : memref<320000x128xf32, #tpu.memory_space<hbm>> -> memref<80x128xf32, #tpu.memory_space<hbm>>
    %dma_wait3A_24 = arith.constant 0 : i32
    %dma_wait3A_25 = tpu.memref_slice %arg11[%sub3A_10, %dma_wait3A_24] : memref<320000x128xf32, #tpu.memory_space<hbm>> -> memref<80x128xf32, #tpu.memory_space<hbm>>
    tpu.wait_dma2 semaphore(%arg25 : memref<!tpu.dma_semaphore, #tpu.memory_space<semaphore_mem>>) src(%arg17 : memref<80x128xf32, #tpu.memory_space<vmem>>) dst(%dma_wait3A_25 : memref<80x128xf32, #tpu.memory_space<hbm>>)
    return
  }
}

module attributes {stable_mosaic.version = 14 : i64} {
  func.func @_mm_body(%arg0: i32, %arg1: memref<2000x128xf32, #tpu.memory_space<vmem>>, %arg2: memref<128x128xf32, #tpu.memory_space<vmem>>, %arg3: memref<1x128xf32, #tpu.memory_space<vmem>>, %arg4: memref<2000x128xf32, #tpu.memory_space<vmem>>) attributes {dimension_semantics = [#tpu.dimension_semantics<arbitrary>], iteration_bounds = array<i64: 5>, scalar_prefetch = 0 : i64, scratch_operands = 0 : i64, tpu.core_type = #tpu.core_type<tc>, window_params = [{transform_indices = @transform_0, window_bounds = array<i64: 2000, 128>}, {pipeline_mode = #tpu.pipeline_mode<synchronous>, transform_indices = @transform_1, window_bounds = array<i64: 128, 128>}, {pipeline_mode = #tpu.pipeline_mode<synchronous>, transform_indices = @transform_2, window_bounds = array<i64: 1, 128>}, {transform_indices = @transform_3, window_bounds = array<i64: 2000, 128>}]} {
    %get3A = arith.constant 0 : index
    %get3A_0 = arith.constant 0 : index
    %get3A_1 = vector.load %arg1[%get3A, %get3A_0] : memref<2000x128xf32, #tpu.memory_space<vmem>>, vector<2000x128xf32>
    %get3A_2 = arith.constant 0 : index
    %get3A_3 = arith.constant 0 : index
    %get3A_4 = vector.load %arg2[%get3A_2, %get3A_3] : memref<128x128xf32, #tpu.memory_space<vmem>>, vector<128x128xf32>
    %dot_general3A = arith.constant dense<0.000000e+00> : vector<2000x128xf32>
    %dot_general3A_5 = tpu.matmul %get3A_1, %get3A_4, %dot_general3A {dimension_numbers = #tpu.dot_dimension_numbers<[1], [0], [0], [1], [0, 0, 1, 1], [], []>, transpose_lhs_hint = false} : vector<2000x128xf32>, vector<128x128xf32>, vector<2000x128xf32> -> vector<2000x128xf32>
    %get3A_6 = arith.constant 0 : index
    %get3A_7 = arith.constant 0 : index
    %get3A_8 = vector.load %arg3[%get3A_6, %get3A_7] : memref<1x128xf32, #tpu.memory_space<vmem>>, vector<1x128xf32>
    %add3A = vector.broadcast %get3A_8 : vector<1x128xf32> to vector<2000x128xf32>
    %add3A_9 = arith.addf %dot_general3A_5, %add3A : vector<2000x128xf32>
    %swap3A = arith.constant 0 : index
    %swap3A_10 = arith.constant 0 : index
    %swap3A_11 = vector.load %arg4[%swap3A, %swap3A_10] : memref<2000x128xf32, #tpu.memory_space<vmem>>, vector<2000x128xf32>
    tpu.vector_store %arg4[%swap3A, %swap3A_10], %add3A_9 {strides = array<i32>} : memref<2000x128xf32, #tpu.memory_space<vmem>>, vector<2000x128xf32>,
    return
  }
  func.func @transform_0(%arg0: i32) -> (i32, i32) {
    %c0_i32 = arith.constant 0 : i32
    %c0_i32_0 = arith.constant 0 : i32
    return %arg0, %c0_i32 : i32, i32
  }
  func.func @transform_1(%arg0: i32) -> (i32, i32) {
    %c0_i32 = arith.constant 0 : i32
    %c0_i32_0 = arith.constant 0 : i32
    %c0_i32_1 = arith.constant 0 : i32
    return %c0_i32, %c0_i32_0 : i32, i32
  }
  func.func @transform_2(%arg0: i32) -> (i32, i32) {
    %c0_i32 = arith.constant 0 : i32
    %c0_i32_0 = arith.constant 0 : i32
    %c0_i32_1 = arith.constant 0 : i32
    return %c0_i32, %c0_i32_0 : i32, i32
  }
  func.func @transform_3(%arg0: i32) -> (i32, i32) {
    %c0_i32 = arith.constant 0 : i32
    %c0_i32_0 = arith.constant 0 : i32
    return %arg0, %c0_i32 : i32, i32
  }
}

module attributes {stable_mosaic.version = 14 : i64} {
  func.func @_mm_body(%arg0: i32, %arg1: memref<2000x16xf32, #tpu.memory_space<vmem>>, %arg2: memref<16x128xf32, #tpu.memory_space<vmem>>, %arg3: memref<1x128xf32, #tpu.memory_space<vmem>>, %arg4: memref<2000x128xf32, #tpu.memory_space<vmem>>) attributes {dimension_semantics = [#tpu.dimension_semantics<arbitrary>], iteration_bounds = array<i64: 160>, scalar_prefetch = 0 : i64, scratch_operands = 0 : i64, tpu.core_type = #tpu.core_type<tc>, window_params = [{transform_indices = @transform_0, window_bounds = array<i64: 2000, 16>}, {pipeline_mode = #tpu.pipeline_mode<synchronous>, transform_indices = @transform_1, window_bounds = array<i64: 16, 128>}, {pipeline_mode = #tpu.pipeline_mode<synchronous>, transform_indices = @transform_2, window_bounds = array<i64: 1, 128>}, {transform_indices = @transform_3, window_bounds = array<i64: 2000, 128>}]} {
    %get3A = arith.constant 0 : index
    %get3A_0 = arith.constant 0 : index
    %get3A_1 = vector.load %arg1[%get3A, %get3A_0] : memref<2000x16xf32, #tpu.memory_space<vmem>>, vector<2000x16xf32>
    %get3A_2 = arith.constant 0 : index
    %get3A_3 = arith.constant 0 : index
    %get3A_4 = vector.load %arg2[%get3A_2, %get3A_3] : memref<16x128xf32, #tpu.memory_space<vmem>>, vector<16x128xf32>
    %dot_general3A = arith.constant dense<0.000000e+00> : vector<2000x128xf32>
    %dot_general3A_5 = tpu.matmul %get3A_1, %get3A_4, %dot_general3A {dimension_numbers = #tpu.dot_dimension_numbers<[1], [0], [0], [1], [0, 0, 1, 1], [], []>, transpose_lhs_hint = false} : vector<2000x16xf32>, vector<16x128xf32>, vector<2000x128xf32> -> vector<2000x128xf32>
    %get3A_6 = arith.constant 0 : index
    %get3A_7 = arith.constant 0 : index
    %get3A_8 = vector.load %arg3[%get3A_6, %get3A_7] : memref<1x128xf32, #tpu.memory_space<vmem>>, vector<1x128xf32>
    %add3A = vector.broadcast %get3A_8 : vector<1x128xf32> to vector<2000x128xf32>
    %add3A_9 = arith.addf %dot_general3A_5, %add3A : vector<2000x128xf32>
    %swap3A = arith.constant 0 : index
    %swap3A_10 = arith.constant 0 : index
    %swap3A_11 = vector.load %arg4[%swap3A, %swap3A_10] : memref<2000x128xf32, #tpu.memory_space<vmem>>, vector<2000x128xf32>
    tpu.vector_store %arg4[%swap3A, %swap3A_10], %add3A_9 {strides = array<i32>} : memref<2000x128xf32, #tpu.memory_space<vmem>>, vector<2000x128xf32>,
    return
  }
  func.func @transform_0(%arg0: i32) -> (i32, i32) {
    %c0_i32 = arith.constant 0 : i32
    %c0_i32_0 = arith.constant 0 : i32
    return %arg0, %c0_i32 : i32, i32
  }
  func.func @transform_1(%arg0: i32) -> (i32, i32) {
    %c0_i32 = arith.constant 0 : i32
    %c0_i32_0 = arith.constant 0 : i32
    %c0_i32_1 = arith.constant 0 : i32
    return %c0_i32, %c0_i32_0 : i32, i32
  }
  func.func @transform_2(%arg0: i32) -> (i32, i32) {
    %c0_i32 = arith.constant 0 : i32
    %c0_i32_0 = arith.constant 0 : i32
    %c0_i32_1 = arith.constant 0 : i32
    return %c0_i32, %c0_i32_0 : i32, i32
  }
  func.func @transform_3(%arg0: i32) -> (i32, i32) {
    %c0_i32 = arith.constant 0 : i32
    %c0_i32_0 = arith.constant 0 : i32
    return %arg0, %c0_i32 : i32, i32
  }
}

module attributes {stable_mosaic.version = 14 : i64} {
  func.func @_edge_tc_body(%arg0: i32, %arg1: memref<2000x128xf32, #tpu.memory_space<vmem>>, %arg2: memref<2000x128xf32, #tpu.memory_space<vmem>>, %arg3: memref<2000x128xf32, #tpu.memory_space<vmem>>, %arg4: memref<2000x128xf32, #tpu.memory_space<vmem>>, %arg5: memref<2000x128xf32, #tpu.memory_space<vmem>>, %arg6: memref<128x128xf32, #tpu.memory_space<vmem>>, %arg7: memref<128x128xf32, #tpu.memory_space<vmem>>, %arg8: memref<128x128xf32, #tpu.memory_space<vmem>>, %arg9: memref<1x128xf32, #tpu.memory_space<vmem>>, %arg10: memref<1x128xf32, #tpu.memory_space<vmem>>, %arg11: memref<1x128xf32, #tpu.memory_space<vmem>>, %arg12: memref<2000x128xf32, #tpu.memory_space<vmem>>, %arg13: memref<2000x128xf32, #tpu.memory_space<vmem>>) attributes {dimension_semantics = [#tpu.dimension_semantics<arbitrary>], iteration_bounds = array<i64: 160>, scalar_prefetch = 0 : i64, scratch_operands = 0 : i64, tpu.core_type = #tpu.core_type<tc>, window_params = [{transform_indices = @transform_0, window_bounds = array<i64: 2000, 128>}, {transform_indices = @transform_1, window_bounds = array<i64: 2000, 128>}, {transform_indices = @transform_2, window_bounds = array<i64: 2000, 128>}, {transform_indices = @transform_3, window_bounds = array<i64: 2000, 128>}, {transform_indices = @transform_4, window_bounds = array<i64: 2000, 128>}, {pipeline_mode = #tpu.pipeline_mode<synchronous>, transform_indices = @transform_5, window_bounds = array<i64: 128, 128>}, {pipeline_mode = #tpu.pipeline_mode<synchronous>, transform_indices = @transform_6, window_bounds = array<i64: 128, 128>}, {pipeline_mode = #tpu.pipeline_mode<synchronous>, transform_indices = @transform_7, window_bounds = array<i64: 128, 128>}, {pipeline_mode = #tpu.pipeline_mode<synchronous>, transform_indices = @transform_8, window_bounds = array<i64: 1, 128>}, {pipeline_mode = #tpu.pipeline_mode<synchronous>, transform_indices = @transform_9, window_bounds = array<i64: 1, 128>}, {pipeline_mode = #tpu.pipeline_mode<synchronous>, transform_indices = @transform_10, window_bounds = array<i64: 1, 128>}, {transform_indices = @transform_11, window_bounds = array<i64: 2000, 128>}, {transform_indices = @transform_12, window_bounds = array<i64: 2000, 128>}]} {
    %get3A = arith.constant 0 : index
    %get3A_0 = arith.constant 0 : index
    %get3A_1 = vector.load %arg5[%get3A, %get3A_0] : memref<2000x128xf32, #tpu.memory_space<vmem>>, vector<2000x128xf32>
    %get3A_2 = arith.constant 0 : index
    %get3A_3 = arith.constant 0 : index
    %get3A_4 = vector.load %arg6[%get3A_2, %get3A_3] : memref<128x128xf32, #tpu.memory_space<vmem>>, vector<128x128xf32>
    %dot_general3A = arith.constant dense<0.000000e+00> : vector<2000x128xf32>
    %dot_general3A_5 = tpu.matmul %get3A_1, %get3A_4, %dot_general3A {dimension_numbers = #tpu.dot_dimension_numbers<[1], [0], [0], [1], [0, 0, 1, 1], [], []>, transpose_lhs_hint = false} : vector<2000x128xf32>, vector<128x128xf32>, vector<2000x128xf32> -> vector<2000x128xf32>
    %get3A_6 = arith.constant 0 : index
    %get3A_7 = arith.constant 0 : index
    %get3A_8 = vector.load %arg7[%get3A_6, %get3A_7] : memref<128x128xf32, #tpu.memory_space<vmem>>, vector<128x128xf32>
    %dot_general3A_9 = arith.constant dense<0.000000e+00> : vector<2000x128xf32>
    %dot_general3A_10 = tpu.matmul %get3A_1, %get3A_8, %dot_general3A_9 {dimension_numbers = #tpu.dot_dimension_numbers<[1], [0], [0], [1], [0, 0, 1, 1], [], []>, transpose_lhs_hint = false} : vector<2000x128xf32>, vector<128x128xf32>, vector<2000x128xf32> -> vector<2000x128xf32>
    %get3A_11 = arith.constant 0 : index
    %get3A_12 = arith.constant 0 : index
    %get3A_13 = vector.load %arg8[%get3A_11, %get3A_12] : memref<128x128xf32, #tpu.memory_space<vmem>>, vector<128x128xf32>
    %dot_general3A_14 = arith.constant dense<0.000000e+00> : vector<2000x128xf32>
    %dot_general3A_15 = tpu.matmul %get3A_1, %get3A_13, %dot_general3A_14 {dimension_numbers = #tpu.dot_dimension_numbers<[1], [0], [0], [1], [0, 0, 1, 1], [], []>, transpose_lhs_hint = false} : vector<2000x128xf32>, vector<128x128xf32>, vector<2000x128xf32> -> vector<2000x128xf32>
    %get3A_16 = arith.constant 0 : index
    %get3A_17 = arith.constant 0 : index
    %get3A_18 = vector.load %arg3[%get3A_16, %get3A_17] : memref<2000x128xf32, #tpu.memory_space<vmem>>, vector<2000x128xf32>
    %add3A = arith.addf %get3A_18, %dot_general3A_10 : vector<2000x128xf32>
    %get3A_19 = arith.constant 0 : index
    %get3A_20 = arith.constant 0 : index
    %get3A_21 = vector.load %arg10[%get3A_19, %get3A_20] : memref<1x128xf32, #tpu.memory_space<vmem>>, vector<1x128xf32>
    %add3A_22 = vector.broadcast %get3A_21 : vector<1x128xf32> to vector<2000x128xf32>
    %add3A_23 = arith.addf %add3A, %add3A_22 : vector<2000x128xf32>
    %logistic3A = arith.negf %add3A_23 : vector<2000x128xf32>
    %logistic3A_24 = math.exp %logistic3A : vector<2000x128xf32>
    %logistic3A_25 = arith.constant 1.000000e+00 : f32
    %logistic3A_26 = vector.broadcast %logistic3A_25 : f32 to vector<2000x128xf32>
    %logistic3A_27 = arith.addf %logistic3A_26, %logistic3A_24 : vector<2000x128xf32>
    %logistic3A_28 = arith.divf %logistic3A_26, %logistic3A_27 : vector<2000x128xf32>
    %get3A_29 = arith.constant 0 : index
    %get3A_30 = arith.constant 0 : index
    %get3A_31 = vector.load %arg1[%get3A_29, %get3A_30] : memref<2000x128xf32, #tpu.memory_space<vmem>>, vector<2000x128xf32>
    %add3A_32 = arith.addf %get3A_31, %dot_general3A_5 : vector<2000x128xf32>
    %get3A_33 = arith.constant 0 : index
    %get3A_34 = arith.constant 0 : index
    %get3A_35 = vector.load %arg9[%get3A_33, %get3A_34] : memref<1x128xf32, #tpu.memory_space<vmem>>, vector<1x128xf32>
    %add3A_36 = vector.broadcast %get3A_35 : vector<1x128xf32> to vector<2000x128xf32>
    %add3A_37 = arith.addf %add3A_32, %add3A_36 : vector<2000x128xf32>
    %mul3A = arith.mulf %logistic3A_28, %add3A_37 : vector<2000x128xf32>
    %swap3A = arith.constant 0 : index
    %swap3A_38 = arith.constant 0 : index
    %swap3A_39 = vector.load %arg12[%swap3A, %swap3A_38] : memref<2000x128xf32, #tpu.memory_space<vmem>>, vector<2000x128xf32>
    tpu.vector_store %arg12[%swap3A, %swap3A_38], %mul3A {strides = array<i32>} : memref<2000x128xf32, #tpu.memory_space<vmem>>, vector<2000x128xf32>,
    %get3A_40 = arith.constant 0 : index
    %get3A_41 = arith.constant 0 : index
    %get3A_42 = vector.load %arg2[%get3A_40, %get3A_41] : memref<2000x128xf32, #tpu.memory_space<vmem>>, vector<2000x128xf32>
    %get3A_43 = arith.constant 0 : index
    %get3A_44 = arith.constant 0 : index
    %get3A_45 = vector.load %arg4[%get3A_43, %get3A_44] : memref<2000x128xf32, #tpu.memory_space<vmem>>, vector<2000x128xf32>
    %add3A_46 = arith.addf %get3A_42, %get3A_45 : vector<2000x128xf32>
    %add3A_47 = arith.addf %add3A_46, %dot_general3A_15 : vector<2000x128xf32>
    %get3A_48 = arith.constant 0 : index
    %get3A_49 = arith.constant 0 : index
    %get3A_50 = vector.load %arg11[%get3A_48, %get3A_49] : memref<1x128xf32, #tpu.memory_space<vmem>>, vector<1x128xf32>
    %add3A_51 = vector.broadcast %get3A_50 : vector<1x128xf32> to vector<2000x128xf32>
    %add3A_52 = arith.addf %add3A_47, %add3A_51 : vector<2000x128xf32>
    %add3A_53 = arith.addf %add3A_52, %get3A_1 : vector<2000x128xf32>
    %swap3A_54 = arith.constant 0 : index
    %swap3A_55 = arith.constant 0 : index
    %swap3A_56 = vector.load %arg13[%swap3A_54, %swap3A_55] : memref<2000x128xf32, #tpu.memory_space<vmem>>, vector<2000x128xf32>
    tpu.vector_store %arg13[%swap3A_54, %swap3A_55], %add3A_53 {strides = array<i32>} : memref<2000x128xf32, #tpu.memory_space<vmem>>, vector<2000x128xf32>,
    return
  }
  func.func @transform_0(%arg0: i32) -> (i32, i32) {
    %c0_i32 = arith.constant 0 : i32
    %c0_i32_0 = arith.constant 0 : i32
    return %arg0, %c0_i32 : i32, i32
  }
  func.func @transform_1(%arg0: i32) -> (i32, i32) {
    %c0_i32 = arith.constant 0 : i32
    %c0_i32_0 = arith.constant 0 : i32
    return %arg0, %c0_i32 : i32, i32
  }
  func.func @transform_2(%arg0: i32) -> (i32, i32) {
    %c0_i32 = arith.constant 0 : i32
    %c0_i32_0 = arith.constant 0 : i32
    return %arg0, %c0_i32 : i32, i32
  }
  func.func @transform_3(%arg0: i32) -> (i32, i32) {
    %c0_i32 = arith.constant 0 : i32
    %c0_i32_0 = arith.constant 0 : i32
    return %arg0, %c0_i32 : i32, i32
  }
  func.func @transform_4(%arg0: i32) -> (i32, i32) {
    %c0_i32 = arith.constant 0 : i32
    %c0_i32_0 = arith.constant 0 : i32
    return %arg0, %c0_i32 : i32, i32
  }
  func.func @transform_5(%arg0: i32) -> (i32, i32) {
    %c0_i32 = arith.constant 0 : i32
    %c0_i32_0 = arith.constant 0 : i32
    %c0_i32_1 = arith.constant 0 : i32
    return %c0_i32, %c0_i32_0 : i32, i32
  }
  func.func @transform_6(%arg0: i32) -> (i32, i32) {
    %c0_i32 = arith.constant 0 : i32
    %c0_i32_0 = arith.constant 0 : i32
    %c0_i32_1 = arith.constant 0 : i32
    return %c0_i32, %c0_i32_0 : i32, i32
  }
  func.func @transform_7(%arg0: i32) -> (i32, i32) {
    %c0_i32 = arith.constant 0 : i32
    %c0_i32_0 = arith.constant 0 : i32
    %c0_i32_1 = arith.constant 0 : i32
    return %c0_i32, %c0_i32_0 : i32, i32
  }
  func.func @transform_8(%arg0: i32) -> (i32, i32) {
    %c0_i32 = arith.constant 0 : i32
    %c0_i32_0 = arith.constant 0 : i32
    %c0_i32_1 = arith.constant 0 : i32
    return %c0_i32, %c0_i32_0 : i32, i32
  }
  func.func @transform_9(%arg0: i32) -> (i32, i32) {
    %c0_i32 = arith.constant 0 : i32
    %c0_i32_0 = arith.constant 0 : i32
    %c0_i32_1 = arith.constant 0 : i32
    return %c0_i32, %c0_i32_0 : i32, i32
  }
  func.func @transform_10(%arg0: i32) -> (i32, i32) {
    %c0_i32 = arith.constant 0 : i32
    %c0_i32_0 = arith.constant 0 : i32
    %c0_i32_1 = arith.constant 0 : i32
    return %c0_i32, %c0_i32_0 : i32, i32
  }
  func.func @transform_11(%arg0: i32) -> (i32, i32) {
    %c0_i32 = arith.constant 0 : i32
    %c0_i32_0 = arith.constant 0 : i32
    return %arg0, %c0_i32 : i32, i32
  }
  func.func @transform_12(%arg0: i32) -> (i32, i32) {
    %c0_i32 = arith.constant 0 : i32
    %c0_i32_0 = arith.constant 0 : i32
    return %arg0, %c0_i32 : i32, i32
  }
}

module attributes {stable_mosaic.version = 14 : i64} {
  func.func @_add3_body(%arg0: i32, %arg1: memref<2000x128xf32, #tpu.memory_space<vmem>>, %arg2: memref<2000x128xf32, #tpu.memory_space<vmem>>, %arg3: memref<2000x128xf32, #tpu.memory_space<vmem>>, %arg4: memref<2000x128xf32, #tpu.memory_space<vmem>>) attributes {dimension_semantics = [#tpu.dimension_semantics<arbitrary>], iteration_bounds = array<i64: 5>, scalar_prefetch = 0 : i64, scratch_operands = 0 : i64, tpu.core_type = #tpu.core_type<tc>, window_params = [{transform_indices = @transform_0, window_bounds = array<i64: 2000, 128>}, {transform_indices = @transform_1, window_bounds = array<i64: 2000, 128>}, {transform_indices = @transform_2, window_bounds = array<i64: 2000, 128>}, {transform_indices = @transform_3, window_bounds = array<i64: 2000, 128>}]} {
    %get3A = arith.constant 0 : index
    %get3A_0 = arith.constant 0 : index
    %get3A_1 = vector.load %arg1[%get3A, %get3A_0] : memref<2000x128xf32, #tpu.memory_space<vmem>>, vector<2000x128xf32>
    %get3A_2 = arith.constant 0 : index
    %get3A_3 = arith.constant 0 : index
    %get3A_4 = vector.load %arg2[%get3A_2, %get3A_3] : memref<2000x128xf32, #tpu.memory_space<vmem>>, vector<2000x128xf32>
    %add3A = arith.addf %get3A_1, %get3A_4 : vector<2000x128xf32>
    %get3A_5 = arith.constant 0 : index
    %get3A_6 = arith.constant 0 : index
    %get3A_7 = vector.load %arg3[%get3A_5, %get3A_6] : memref<2000x128xf32, #tpu.memory_space<vmem>>, vector<2000x128xf32>
    %add3A_8 = arith.addf %add3A, %get3A_7 : vector<2000x128xf32>
    %swap3A = arith.constant 0 : index
    %swap3A_9 = arith.constant 0 : index
    %swap3A_10 = vector.load %arg4[%swap3A, %swap3A_9] : memref<2000x128xf32, #tpu.memory_space<vmem>>, vector<2000x128xf32>
    tpu.vector_store %arg4[%swap3A, %swap3A_9], %add3A_8 {strides = array<i32>} : memref<2000x128xf32, #tpu.memory_space<vmem>>, vector<2000x128xf32>,
    return
  }
  func.func @transform_0(%arg0: i32) -> (i32, i32) {
    %c0_i32 = arith.constant 0 : i32
    %c0_i32_0 = arith.constant 0 : i32
    return %arg0, %c0_i32 : i32, i32
  }
  func.func @transform_1(%arg0: i32) -> (i32, i32) {
    %c0_i32 = arith.constant 0 : i32
    %c0_i32_0 = arith.constant 0 : i32
    return %arg0, %c0_i32 : i32, i32
  }
  func.func @transform_2(%arg0: i32) -> (i32, i32) {
    %c0_i32 = arith.constant 0 : i32
    %c0_i32_0 = arith.constant 0 : i32
    return %arg0, %c0_i32 : i32, i32
  }
  func.func @transform_3(%arg0: i32) -> (i32, i32) {
    %c0_i32 = arith.constant 0 : i32
    %c0_i32_0 = arith.constant 0 : i32
    return %arg0, %c0_i32 : i32, i32
  }
}

module attributes {stable_mosaic.version = 14 : i64} {
  func.func @_pool_body(%arg0: i32, %arg1: memref<2000x128xf32, #tpu.memory_space<vmem>>, %arg2: memref<1x1x2000xi32, #tpu.memory_space<vmem>>, %arg3: memref<64x128xf32, #tpu.memory_space<vmem>>, %arg4: memref<64x1xf32, #tpu.memory_space<vmem>>) attributes {dimension_semantics = [#tpu.dimension_semantics<arbitrary>], iteration_bounds = array<i64: 5>, scalar_prefetch = 0 : i64, scratch_operands = 0 : i64, tpu.core_type = #tpu.core_type<tc>, window_params = [{transform_indices = @transform_0, window_bounds = array<i64: 2000, 128>}, {transform_indices = @transform_1, window_bounds = array<i64: 1, 1, 2000>}, {pipeline_mode = #tpu.pipeline_mode<synchronous>, transform_indices = @transform_2, window_bounds = array<i64: 64, 128>}, {pipeline_mode = #tpu.pipeline_mode<synchronous>, transform_indices = @transform_3, window_bounds = array<i64: 64, 1>}]} {
    %eq3A = arith.constant 0 : i32
    %eq3A_0 = arith.cmpi eq, %arg0, %eq3A : i32
    %convert_element_type3A = arith.extui %eq3A_0 : i1 to i32
    %cond3A = arith.constant 0 : i32
    %cond3A_1 = arith.cmpi ne, %convert_element_type3A, %cond3A : i32
    scf.if %cond3A_1 {
      %broadcast_in_dim3A_27 = arith.constant 0.000000e+00 : f32
      %broadcast_in_dim3A_28 = vector.broadcast %broadcast_in_dim3A_27 : f32 to vector<64x128xf32>
      %swap3A_29 = arith.constant 0 : index
      %swap3A_30 = arith.constant 0 : index
      %swap3A_31 = vector.load %arg3[%swap3A_29, %swap3A_30] : memref<64x128xf32, #tpu.memory_space<vmem>>, vector<64x128xf32>
      tpu.vector_store %arg3[%swap3A_29, %swap3A_30], %broadcast_in_dim3A_28 {strides = array<i32>} : memref<64x128xf32, #tpu.memory_space<vmem>>, vector<64x128xf32>,
      %broadcast_in_dim3A_32 = arith.constant 0.000000e+00 : f32
      %broadcast_in_dim3A_33 = vector.broadcast %broadcast_in_dim3A_32 : f32 to vector<64x1xf32>
      %swap3A_34 = arith.constant 0 : index
      %swap3A_35 = arith.constant 0 : index
      %swap3A_36 = vector.load %arg4[%swap3A_34, %swap3A_35] : memref<64x1xf32, #tpu.memory_space<vmem>>, vector<64x1xf32>
      tpu.vector_store %arg4[%swap3A_34, %swap3A_35], %broadcast_in_dim3A_33 {strides = array<i32>} : memref<64x1xf32, #tpu.memory_space<vmem>>, vector<64x1xf32>,
    } else {
    }
    %get3A = arith.constant 0 : index
    %get3A_2 = arith.constant 0 : index
    %get3A_3 = arith.constant 0 : index
    %get3A_4 = vector.load %arg2[%get3A, %get3A_2, %get3A_3] : memref<1x1x2000xi32, #tpu.memory_space<vmem>>, vector<1x1x2000xi32>
    %get3A_5 = vector.shape_cast %get3A_4 : vector<1x1x2000xi32> to vector<1x2000xi32>
    %iota3A = tpu.iota {dimensions = array<i32: 0>} : vector<64x2000xi32>
    %eq3A_6 = vector.broadcast %get3A_5 : vector<1x2000xi32> to vector<64x2000xi32>
    %eq3A_7 = arith.cmpi eq, %eq3A_6, %iota3A : vector<64x2000xi32>
    %convert_element_type3A_8 = arith.extui %eq3A_7 : vector<64x2000xi1> to vector<64x2000xi32>
    %convert_element_type3A_9 = arith.sitofp %convert_element_type3A_8 : vector<64x2000xi32> to vector<64x2000xf32>
    %get3A_10 = arith.constant 0 : index
    %get3A_11 = arith.constant 0 : index
    %get3A_12 = vector.load %arg3[%get3A_10, %get3A_11] : memref<64x128xf32, #tpu.memory_space<vmem>>, vector<64x128xf32>
    %get3A_13 = arith.constant 0 : index
    %get3A_14 = arith.constant 0 : index
    %get3A_15 = vector.load %arg1[%get3A_13, %get3A_14] : memref<2000x128xf32, #tpu.memory_space<vmem>>, vector<2000x128xf32>
    %dot_general3A = arith.constant dense<0.000000e+00> : vector<64x128xf32>
    %dot_general3A_16 = tpu.matmul %convert_element_type3A_9, %get3A_15, %dot_general3A {dimension_numbers = #tpu.dot_dimension_numbers<[1], [0], [0], [1], [0, 0, 1, 1], [], []>, precision = #tpu.contract_precision<fp32>, transpose_lhs_hint = false} : vector<64x2000xf32>, vector<2000x128xf32>, vector<64x128xf32> -> vector<64x128xf32>
    %add3A = arith.addf %get3A_12, %dot_general3A_16 : vector<64x128xf32>
    %swap3A = arith.constant 0 : index
    %swap3A_17 = arith.constant 0 : index
    %swap3A_18 = vector.load %arg3[%swap3A, %swap3A_17] : memref<64x128xf32, #tpu.memory_space<vmem>>, vector<64x128xf32>
    tpu.vector_store %arg3[%swap3A, %swap3A_17], %add3A {strides = array<i32>} : memref<64x128xf32, #tpu.memory_space<vmem>>, vector<64x128xf32>,
    %get3A_19 = arith.constant 0 : index
    %get3A_20 = arith.constant 0 : index
    %get3A_21 = vector.load %arg4[%get3A_19, %get3A_20] : memref<64x1xf32, #tpu.memory_space<vmem>>, vector<64x1xf32>
    %reduce_sum3A = arith.constant dense<0.000000e+00> : vector<64xf32>
    %reduce_sum3A_22 = vector.multi_reduction <add>, %convert_element_type3A_9, %reduce_sum3A [1] : vector<64x2000xf32> to vector<64xf32>
    %broadcast_in_dim3A = vector.shape_cast %reduce_sum3A_22 : vector<64xf32> to vector<64x1xf32>
    %add3A_23 = arith.addf %get3A_21, %broadcast_in_dim3A : vector<64x1xf32>
    %swap3A_24 = arith.constant 0 : index
    %swap3A_25 = arith.constant 0 : index
    %swap3A_26 = vector.load %arg4[%swap3A_24, %swap3A_25] : memref<64x1xf32, #tpu.memory_space<vmem>>, vector<64x1xf32>
    tpu.vector_store %arg4[%swap3A_24, %swap3A_25], %add3A_23 {strides = array<i32>} : memref<64x1xf32, #tpu.memory_space<vmem>>, vector<64x1xf32>,
    return
  }
  func.func @transform_0(%arg0: i32) -> (i32, i32) {
    %c0_i32 = arith.constant 0 : i32
    %c0_i32_0 = arith.constant 0 : i32
    return %arg0, %c0_i32 : i32, i32
  }
  func.func @transform_1(%arg0: i32) -> (i32, i32, i32) {
    %c0_i32 = arith.constant 0 : i32
    %c0_i32_0 = arith.constant 0 : i32
    %c0_i32_1 = arith.constant 0 : i32
    return %arg0, %c0_i32, %c0_i32_0 : i32, i32, i32
  }
  func.func @transform_2(%arg0: i32) -> (i32, i32) {
    %c0_i32 = arith.constant 0 : i32
    %c0_i32_0 = arith.constant 0 : i32
    %c0_i32_1 = arith.constant 0 : i32
    return %c0_i32, %c0_i32_0 : i32, i32
  }
  func.func @transform_3(%arg0: i32) -> (i32, i32) {
    %c0_i32 = arith.constant 0 : i32
    %c0_i32_0 = arith.constant 0 : i32
    %c0_i32_1 = arith.constant 0 : i32
    return %c0_i32, %c0_i32_0 : i32, i32
  }
}

module attributes {stable_mosaic.version = 14 : i64} {
  func.func @_mlp_body(%arg0: memref<64x128xf32, #tpu.memory_space<vmem>>, %arg1: memref<64x1xf32, #tpu.memory_space<vmem>>, %arg2: memref<128x128xf32, #tpu.memory_space<vmem>>, %arg3: memref<1x128xf32, #tpu.memory_space<vmem>>, %arg4: memref<128x1xf32, #tpu.memory_space<vmem>>, %arg5: memref<1x1xf32, #tpu.memory_space<vmem>>, %arg6: memref<64x1xf32, #tpu.memory_space<vmem>>) attributes {dimension_semantics = [], scalar_prefetch = 0 : i64, scratch_operands = 0 : i64, tpu.core_type = #tpu.core_type<tc>} {
    %get3A = arith.constant 0 : index
    %get3A_0 = arith.constant 0 : index
    %get3A_1 = vector.load %arg0[%get3A, %get3A_0] : memref<64x128xf32, #tpu.memory_space<vmem>>, vector<64x128xf32>
    %get3A_2 = arith.constant 0 : index
    %get3A_3 = arith.constant 0 : index
    %get3A_4 = vector.load %arg1[%get3A_2, %get3A_3] : memref<64x1xf32, #tpu.memory_space<vmem>>, vector<64x1xf32>
    %max3A = arith.constant 1.000000e+00 : f32
    %max3A_5 = vector.broadcast %max3A : f32 to vector<64x1xf32>
    %max3A_6 = arith.maximumf %get3A_4, %max3A_5 : vector<64x1xf32>
    %div3A = vector.broadcast %max3A_6 : vector<64x1xf32> to vector<64x128xf32>
    %div3A_7 = arith.divf %get3A_1, %div3A : vector<64x128xf32>
    %get3A_8 = arith.constant 0 : index
    %get3A_9 = arith.constant 0 : index
    %get3A_10 = vector.load %arg2[%get3A_8, %get3A_9] : memref<128x128xf32, #tpu.memory_space<vmem>>, vector<128x128xf32>
    %dot_general3A = arith.constant dense<0.000000e+00> : vector<64x128xf32>
    %dot_general3A_11 = tpu.matmul %div3A_7, %get3A_10, %dot_general3A {dimension_numbers = #tpu.dot_dimension_numbers<[1], [0], [0], [1], [0, 0, 1, 1], [], []>, transpose_lhs_hint = false} : vector<64x128xf32>, vector<128x128xf32>, vector<64x128xf32> -> vector<64x128xf32>
    %get3A_12 = arith.constant 0 : index
    %get3A_13 = arith.constant 0 : index
    %get3A_14 = vector.load %arg3[%get3A_12, %get3A_13] : memref<1x128xf32, #tpu.memory_space<vmem>>, vector<1x128xf32>
    %add3A = vector.broadcast %get3A_14 : vector<1x128xf32> to vector<64x128xf32>
    %add3A_15 = arith.addf %dot_general3A_11, %add3A : vector<64x128xf32>
    %max3A_16 = arith.constant 0.000000e+00 : f32
    %max3A_17 = vector.broadcast %max3A_16 : f32 to vector<64x128xf32>
    %max3A_18 = arith.maximumf %add3A_15, %max3A_17 : vector<64x128xf32>
    %get3A_19 = arith.constant 0 : index
    %get3A_20 = arith.constant 0 : index
    %get3A_21 = vector.load %arg4[%get3A_19, %get3A_20] : memref<128x1xf32, #tpu.memory_space<vmem>>, vector<128x1xf32>
    %dot_general3A_22 = arith.constant dense<0.000000e+00> : vector<64x1xf32>
    %dot_general3A_23 = tpu.matmul %max3A_18, %get3A_21, %dot_general3A_22 {dimension_numbers = #tpu.dot_dimension_numbers<[1], [0], [0], [1], [0, 0, 1, 1], [], []>, transpose_lhs_hint = false} : vector<64x128xf32>, vector<128x1xf32>, vector<64x1xf32> -> vector<64x1xf32>
    %get3A_24 = arith.constant 0 : index
    %get3A_25 = arith.constant 0 : index
    %get3A_26 = vector.load %arg5[%get3A_24, %get3A_25] : memref<1x1xf32, #tpu.memory_space<vmem>>, vector<1x1xf32>
    %add3A_27 = vector.broadcast %get3A_26 : vector<1x1xf32> to vector<64x1xf32>
    %add3A_28 = arith.addf %dot_general3A_23, %add3A_27 : vector<64x1xf32>
    %swap3A = arith.constant 0 : index
    %swap3A_29 = arith.constant 0 : index
    %swap3A_30 = vector.load %arg6[%swap3A, %swap3A_29] : memref<64x1xf32, #tpu.memory_space<vmem>>, vector<64x1xf32>
    tpu.vector_store %arg6[%swap3A, %swap3A_29], %add3A_28 {strides = array<i32>} : memref<64x1xf32, #tpu.memory_space<vmem>>, vector<64x1xf32>,
    return
  }
}

</mosaic_0001>

<sc_bundles>
// kernel: kernel.22.cloned.1.call-start
scs
__scs_entry_jumppad:
0x0: {  	(pc) =	sbr.rel $0x88, $3  }
0x1: {  	(tag) =	ssettag $0x0;
	lr =	simm.s32 $0x1  }
0x2: {  	[smem:$0x3F8F] =	sst lr;
	_ =	strace $0xD0000000  }
0x3: {  	_ = 	snop  }
0x4: {  	_ = 	snop  }
0x5: {  	_ = 	snop  }
0x6: {  	_ = 	snop  }
0x7: {  	_ = 	snop  }
__scs_overlays_trampoline_lowered:
0x8: {  	[smem:$0x3F9E] =	sst s0  }
0x9: {  	[smem:$0x3F9F] =	sst s1  }
0xa: {  	[smem:$0x3FA0] =	sst s2  }
0xb: {  	[smem:$0x3FA1] =	sst s3  }
0xc: {  	[smem:$0x3FA2] =	sst s4  }
0xd: {  	[smem:$0x3FA3] =	sst s5  }
0xe: {  	[smem:$0x3FA4] =	sst s6  }
0xf: {  	[smem:$0x3FA5] =	sst s7  }
0x10: {  	[smem:$0x3FA6] =	sst s8  }
0x11: {  	[smem:$0x3FA7] =	sst s9;
	s0 =	simm.s32 @!p0 $0x0  }
0x12: {  	s1 =	sld [smem:$0x3F8D];
	s0 =	simm.s32 @p0 $0x1  }
0x13: {  	[smem:$0x3FA8] =	sst s0;
	s0 =	simm.s32 @!p1 $0x0  }
0x14: {  	s2 =	sld [smem:$0x3F8C];
	s0 =	simm.s32 @p1 $0x1  }
0x15: {  	[smem:$0x3FA9] =	sst s0;
	s0 =	simm.s32 @!p2 $0x0  }
0x16: {  	s3 =	sld [smem:$0x3FDB];
	s0 =	simm.s32 @p2 $0x1  }
0x17: {  	s4 =	simm.s32 $0x1BF5;
	[smem:$0x3FAB] =	sst s0  }
0x18: {  	s0 =	sld [smem:$0x3F8E];
	_ =	swait.ge [sflag:s4], $0x0  }
0x19: {  	s7 =	sld [smem:$0x3F8F]  }
0x1a: {  	s8 =	sadd.s32 $0xFFFFE003, lr  }
0x1b: {  	s9 =	sadd.s32 $0xFFFFFEF7, lr;
	s5 =	simm.s32 $0xFFFFFFFF;
	p2 =	slt.u32 s8, $0xFFFFF086  }
0x1c: {  	p1 =	slt.u32 s9, $0xF7A;
	s5 =	simm.s32 @!p2 $0x0  }
0x1d: {  	s5 =	simm.s32 @p1 $0x1;
	p0 =	seq.s32 s7, s2  }
0x1e: {  	s7 =	smul.u32 @!p0 $0xF7A, s2;
	p2 =	seq.s32 @!p0 s5, $0x0  }
0x1f: {  	s9 =	smul.u32 $0xF7A, s1;
	s8 =	simm.s32 @!p0 $0x1BF5;
	p2 =	por !p2, p0  }
0x20: {  	[sflag:s8] =	ssyncset.s32 @!p0 $0xFFFFF086;
	s6 =	sadd.s32 @!p0 s3, s7;
	s7 =	simm.s32 @!p0 $0x108  }
0x21: {  	s3 =	sadd.s32 s3, s9;
	s6 =	sadd.s32 @!p0 $0x88, s6;
	s7 =	simm.s32 @p2 $0x1082  }
0x22: {  	[simem:s7], [sflag:s8] =	dma.local @!p0 [hbm:s6], $0xF7A  }
0x23: {  	s9 =	sor.u32 $0xD0000000, s2;
	s6 =	simm.s32 $0x108;
	_ =	swait.ge @!p0 [sflag:s8], $0x0  }
0x24: {  	s3 =	sadd.s32 $0x88, s3;
	s6 =	simm.s32 @!p1 $0x1082;
	[sflag:s4] =	ssyncset.s32 $0xFFFFF086  }
0x25: {  	[simem:s6], [sflag:s4] =	dma.local [hbm:s3], $0xF7A  }
0x26: {  	[smem:$0x3F8F] =	sst s1;
	(tag) =	ssettag s2;
	_ =	strace s9  }
0x27: {  	s1 =	sld [smem:$0x3F9F]  }
0x28: {  	s2 =	sld [smem:$0x3FA0]  }
0x29: {  	s4 =	sld [smem:$0x3FA2]  }
0x2a: {  	p0 =	seq.s32 s5, $0x0;
	s5 =	sld [smem:$0x3FA3]  }
0x2b: {  	s6 =	sld [smem:$0x3FA4]  }
0x2c: {  	s7 =	sld [smem:$0x3FA5]  }
0x2d: {  	s3 =	simm.s32 $0x108;
	s8 =	sld [smem:$0x3FA6]  }
0x2e: {  	s3 =	simm.s32 @!p0 $0x1082;
	s9 =	sld [smem:$0x3FA7]  }
0x2f: {  	lr =	sadd.s32 s0, s3;
	s0 =	sld [smem:$0x3F9E]  }
0x30: {  	s3 =	sld [smem:$0x3FA1]  }
0x31: {  	[smem:$0x3FAA] =	sst s10  }
0x32: {  	s10 =	sld [smem:$0x3FA8];
	_ =	sdelay $0x3  }
0x33: {  	p0 =	seq.s32 s10, $0x1;
	s10 =	sld [smem:$0x3FAA];
	_ =	sdelay $0x3  }
0x34: {  	[smem:$0x3FAA] =	sst s10  }
0x35: {  	s10 =	sld [smem:$0x3FA9];
	_ =	sdelay $0x3  }
0x36: {  	p1 =	seq.s32 s10, $0x1;
	s10 =	sld [smem:$0x3FAA];
	_ =	sdelay $0x3  }
0x37: {  	[smem:$0x3FAA] =	sst s10  }
0x38: {  	s10 =	sld [smem:$0x3FAB]  }
0x39: {  	_ = 	snop;
	(pc) =	sbr.ind lr, $3  }
0x3a: {  	_ = 	snop  }
0x3b: {  	_ = 	snop  }
0x3c: {  	p2 =	seq.s32 s10, $0x1;
	s10 =	sld [smem:$0x3FAA]  }
0x3d: {  	_ =	shalt  }
0x3e: {  	_ =	shalt  }
0x3f: {  	_ =	shalt  }
0x40: {  	_ =	shalt  }
0x41: {  	_ =	shalt  }
0x42: {  	_ =	shalt  }
0x43: {  	_ =	shalt  }
0x44: {  	_ =	shalt  }
0x45: {  	_ =	shalt  }
0x46: {  	_ =	shalt  }
0x47: {  	_ =	shalt  }
0x48: {  	_ =	shalt  }
0x49: {  	_ =	shalt  }
0x4a: {  	_ =	shalt  }
0x4b: {  	_ =	shalt  }
0x4c: {  	_ =	shalt  }
0x4d: {  	_ =	shalt  }
0x4e: {  	_ =	shalt  }
0x4f: {  	_ =	shalt  }
0x50: {  	_ =	shalt  }
0x51: {  	_ =	shalt  }
0x52: {  	_ =	shalt  }
0x53: {  	_ =	shalt  }
0x54: {  	_ =	shalt  }
0x55: {  	_ =	shalt  }
0x56: {  	_ =	shalt  }
0x57: {  	_ =	shalt  }
0x58: {  	_ =	shalt  }
0x59: {  	_ =	shalt  }
0x5a: {  	_ =	shalt  }
0x5b: {  	_ =	shalt  }
0x5c: {  	_ =	shalt  }
0x5d: {  	_ =	shalt  }
0x5e: {  	_ =	shalt  }
0x5f: {  	_ =	shalt  }
0x60: {  	_ =	shalt  }
0x61: {  	_ =	shalt  }
0x62: {  	_ =	shalt  }
0x63: {  	_ =	shalt  }
0x64: {  	_ =	shalt  }
0x65: {  	_ =	shalt  }
0x66: {  	_ =	shalt  }
0x67: {  	_ =	shalt  }
0x68: {  	_ =	shalt  }
0x69: {  	_ =	shalt  }
0x6a: {  	_ =	shalt  }
0x6b: {  	_ =	shalt  }
0x6c: {  	_ =	shalt  }
0x6d: {  	_ =	shalt  }
0x6e: {  	_ =	shalt  }
0x6f: {  	_ =	shalt  }
0x70: {  	_ =	shalt  }
0x71: {  	_ =	shalt  }
0x72: {  	_ =	shalt  }
0x73: {  	_ =	shalt  }
0x74: {  	_ =	shalt  }
0x75: {  	_ =	shalt  }
0x76: {  	_ =	shalt  }
0x77: {  	_ =	shalt  }
0x78: {  	_ =	shalt  }
0x79: {  	_ =	shalt  }
0x7a: {  	_ =	shalt  }
0x7b: {  	_ =	shalt  }
0x7c: {  	_ =	shalt  }
0x7d: {  	_ =	shalt  }
0x7e: {  	_ =	shalt  }
0x7f: {  	_ =	shalt  }
0x80: {  	_ =	shalt  }
0x81: {  	_ =	shalt  }
0x82: {  	_ =	shalt  }
0x83: {  	_ =	shalt  }
0x84: {  	_ =	shalt  }
0x85: {  	_ =	shalt  }
0x86: {  	_ =	shalt  }
0x87: {  	_ =	shalt  }
.Lfunc_end0:
.L_simem_size_0:
called_computation_lowered:
.L_overlay_start_0:
0x88: {  	s2 =	sld [smem:$0x3FD9]  }
0x89: {  	s3 =	sld [smem:$0x3FFE];
	_ =	sdelay $0x1  }
0x8a: {  	s1 =	srdreg.scid  }
0x8b: {  	s0 =	sand.u32 $0x1, s1  }
0x8c: {  	s16 =	sshll.u32 s0, $0xA;
	s2 =	sadd.s32 s3, s2  }
0x8d: {  	s2 =	sadd.s32 s2, s16  }
0x8e: {  	[smem:$0x3FB6] =	sst s2  }
0x8f: {  	_ = 	snop  }
0x90: {  	(tm) =	ssettm $0x1  }
0x91: {  	s17 =	sld [smem:$0x3FFB];
	_ =	sdelay $0x3  }
0x92: {  	_ =	strace s17  }
0x93: {  	s2 =	sld [smem:$0x3FFC];
	_ =	sdelay $0x3  }
0x94: {  	_ =	strace s2  }
0x95: {  	s2 =	sld [smem:$0x3FFD];
	_ =	sdelay $0x3  }
0x96: {  	_ =	strace s2  }
0x97: {  	_ =	strace $0x8FFFFFFF  }
0x98: {  	s18 =	sld [smem:$0x3FDB];
	_ =	sdelay $0x1  }
0x99: {  	s19 =	simm.s32 $_scs_section_size  }
0x9a: {  	s4 =	simm.s32 $_size__tile_overlayer_lowered;
	s5 =	simm.s32 $_tile_overlayer_lowered  }
0x9b: {  	s22 =	simm.s32 $0x1BFF;
	s21 =	sshll.u32 s5, $0x1;
	s2 =	sadd.s32 s19, s18  }
0x9c: {  	s6 =	simm.s32 $0x0;
	s20 =	sshll.u32 s4, $0x1;
	s4 =	sadd.s32 s21, s2  }
0x9d: {  	[timem:s6], [sflag:s22] =	dma.local [hbm:s4], s20  }
0x9e: {  	_ =	swait.ge [sflag:s22], s20  }
0x9f: {  	s3 =	ssub.s32 $0x0, s20;
	[sflag:s22] =	ssyncset.done $0x0  }
0xa0: {  	[sflag:s22] =	ssyncadd.s32 s3;
	_ =	sdelay $0x1  }
0xa1: {  	s23 =	simm.s32 $0x1B8B  }
0xa2: {  	_ =	swait.ge [sflag:s23], $0x1  }
0xa3: {  	[sflag:s23] =	ssyncset.done $0x0  }
0xa4: {  	s25 =	simm.s32 $0x1B8E;
	s24 =	sld [smem:$0x3FFE];
	[sflag:s23] =	ssyncadd.s32 $0xFFFFFFFF  }
0xa5: {  	s26 =	simm.s32 $execute0_lowered;
	[smem:$0x3FD2] =	sst s25  }
0xa6: {  	s4 =	sshll.u32 s26, $0x1;
	_ =	strace $0x80000046;
	[dreg:$0x1] =	wrdreg $0xFFFFFFFF  }
0xa7: {  	s28 =	simm.s32 $_size_execute0_lowered;
	s2 =	sadd.s32 s2, s4;
	[dreg:$0x0] =	wrdreg $0x0  }
0xa8: {  	s4 =	sshll.u32 s28, $0x1;
	[dreg:$0x2] =	wrdreg s2  }
0xa9: {  	[dreg:$0x3] =	wrdreg s4  }
0xaa: {  	[dreg:$0x4] =	wrdreg $0xC0  }
0xab: {  	_ =	task [dreg:s6], $0x5FFFF  }
0xac: {  	[dreg:$0x1] =	wrdreg $0xFFFFFFFF  }
0xad: {  	[dreg:$0x0] =	wrdreg $0x60  }
0xae: {  	[dreg:$0x2] =	wrdreg s24  }
0xaf: {  	[dreg:$0x3] =	wrdreg $0x9  }
0xb0: {  	_ =	task.clear_ibuf [dreg:s6], $0x4FFFF;
	_ =	strace $0x90000046  }
0xb1: {  	s29 =	simm.s32 $0x9;
	_ =	strace $0x80000048  }
0xb2: {  	_ =	swait.ge [sflag:s29], $0x1  }
0xb3: {  	[sflag:s29] =	ssyncadd.s32 $0xFFFFFFFF  }
0xb4: {  	_ =	strace $0x90000048  }
0xb5: {  	_ =	sfence  }
0xb6: {  	s30 =	sld [smem:$0x0];
	_ =	sdelay $0x2  }
0xb7: {  	s31 =	sshll.u32 s1, $0xD;
	s1 =	sshrl.u32 s1, $0x2  }
0xb8: {  	s3 =	sand.u32 $0x4000, s31;
	s1 =	sadd.s32 s1, s30  }
0xb9: {  	s0 =	sor.u32 s3, s0;
	s1 =	sshll.u32 s1, $0x11  }
0xba: {  	s0 =	sor.u32 s1, s0  }
0xbb: {  	s0 =	sadd.s32 $0x8F2B, s0  }
0xbc: {  	[sflag:s0] =	ssyncadd.remote.s32 $0x1  }
0xbd: {  	_ =	sfence.sel $0xFFFF  }
0xbe: {  	[dreg:$0x0] =	wrdreg $0xFFFFFFFF;
	(pc) =	sbr.abs _section_cstart, $3  }
0xbf: {  	[dreg:$0x1] =	wrdreg $0xFFFFFFFF  }
0xc0: {  	_ =	task.clear_ibuf [dreg:s6], $0x2FFFF;
	_ =	strace $0x9FFFFFFF  }
0xc1: {  	(tm) =	ssettm $0x7FFFFFFF  }
tec
execute0_lowered:
.L_overlay_start_1:
0x0: {  	(tag) =	ssettag $0x1  }
0x1: {  	s0 =	rddreg [dreg:$0x0];
	s1 =	simm.s32 $0x0  }
0x2: {  	s9 =	stileid.u32;
	s25 =	srdreg.scid;
	s12 =	simm.s32 $0x9  }
0x3: {  	s13 =	simm.s32 $0x50;
	s14 =	simm.s32 $0x2000;
	s15 =	simm.s32 $0x4800  }
0x4: {  	s16 =	simm.s32 $0x7000;
	s17 =	simm.s32 $0x9800;
	s18 =	simm.s32 $0x1  }
0x5: {  	s19 =	simm.s32 $0x2;
	s20 =	simm.s32 $0x3;
	[smem:$0x7FF] =	sst s1  }
0x6: {  	s2 =	sadd.s32 $0x5AA00, s0;
	s23 =	sadd.s32 $0x81C00, s0;
	s6 =	smul.u32 $0x4E200, s9  }
0x7: {  	_ =	strace $0x80000047;
	[dreg:$0x2] =	wrdreg s2;
	s2 =	sand.u32 $0x1, s25  }
0x8: {  	s24 =	sadd.s32 $0xA9600, s0;
	s3 =	sadd.s32 $0x33800, s0;
	s8 =	smul.u32 $0x27100, s2  }
0x9: {  	s4 =	sadd.s32 $0xE4800, s0;
	s5 =	sadd.s32 $0xD0800, s0;
	s0 =	sadd.s32 s6, s0  }
0xa: {  	[dreg:$0x3] =	wrdreg s23;
	s7 =	ssub.s32 $0x2, s2;
	s0 =	sadd.s32 s8, s0  }
0xb: {  	[dreg:$0x4] =	wrdreg s24;
	s26 =	sshrl.u32 s7, $0x1;
	s28 =	sadd.s32 $0xF8800, s0  }
0xc: {  	s7 =	ssub.s32 s7, s26;
	s29 =	sadd.s32 $0x5DA800, s0;
	[dreg:$0x5] =	wrdreg s28  }
0xd: {  	s21 =	simm.s32 $0x4;
	s30 =	smax.u32 s7, $0x1;
	[dreg:$0x6] =	wrdreg s29  }
0xe: {  	s9 =	sshll.u32 s9, $0x1;
	s31 =	sadd.s32 $0xABC800, s0;
	[dreg:$0x7] =	wrdreg s30  }
0xf: {  	s2 =	sor.u32 s2, s9;
	s0 =	sadd.s32 $0xF9E800, s0;
	[dreg:$0x8] =	wrdreg s31  }
0x10: {  	s6 =	smul.u32 $0x5000, s2;
	s26 =	simm.s32 $0x0;
	[dreg:$0x9] =	wrdreg s0  }
.LBB2_1:
0x11: {  	s28 =	rddreg [dreg:$0x9]  }
0x12: {  	s29 =	rddreg [dreg:$0x8]  }
0x13: {  	s30 =	rddreg [dreg:$0x6]  }
0x14: {  	s31 =	rddreg [dreg:$0x5];
	s0 =	simm.s32 $0x0  }
.LBB2_2:
0x15: {  	s2 =	sshll.u32 s0, $0xC  }
0x16: {  	s2 =	sadd.s32 s6, s2  }
0x17: {  	s2 =	sshrl.u32 s2, $0x3  }
0x18: {  	s8 =	simm.s32 $0x0;
	s7 =	sadd.s32 s4, s2  }
0x19: {  	[tilespmem:s8], [sflag:$0x9] =	stream.linear.gather [hbm4b:s7+s8], $0x1000, $0x38;
	[tilespmem:$0xC000] =	vst v63  }
0x1a: {  	_ =	swait.ge [sflag:s12], $0x1000  }
0x1b: {  	[sflag:s12] =	ssyncset.done $0x0  }
0x1c: {  	s25 =	simm.s32 $0x1000;
	s2 =	sadd.s32 s5, s2;
	[sflag:s12] =	ssyncadd.s32 $0xFFFFF000  }
0x1d: {  	[tilespmem:s25], [sflag:$0x9] =	stream.linear.gather [hbm4b:s2+s8], $0x1000, $0x38;
	[tilespmem:$0xC000] =	vst v63  }
0x1e: {  	s10 =	sor.u32 s0, s8;
	_ =	swait.ge [sflag:s12], $0x1000  }
0x1f: {  	p0 =	seq.s32 s10, $0x0;
	[sflag:s12] =	ssyncset.done $0x0  }
0x20: {  	s2 =	simm.s32 @!p0 $0x5;
	[sflag:s12] =	ssyncadd.s32 $0xFFFFF000  }
0x21: {  	_ =	swait.ge @!p0 [sflag:s2], $0x2800  }
0x22: {  	[sflag:s2] =	ssyncset.done @!p0 $0x0  }
0x23: {  	[sflag:s2] =	ssyncadd.s32 @!p0 $0xFFFFD800;
	s2 =	simm.s32 @!p0 $0x6  }
0x24: {  	_ =	swait.ge @!p0 [sflag:s2], $0x2800  }
0x25: {  	[sflag:s2] =	ssyncset.done @!p0 $0x0  }
0x26: {  	[sflag:s2] =	ssyncadd.s32 @!p0 $0xFFFFD800;
	s2 =	simm.s32 @!p0 $0x7  }
0x27: {  	_ =	swait.ge @!p0 [sflag:s2], $0x2800  }
0x28: {  	[sflag:s2] =	ssyncset.done @!p0 $0x0  }
0x29: {  	[sflag:s2] =	ssyncadd.s32 @!p0 $0xFFFFD800;
	s2 =	simm.s32 @!p0 $0x8  }
0x2a: {  	_ =	swait.ge @!p0 [sflag:s2], $0x2800  }
0x2b: {  	[sflag:s2] =	ssyncset.done @!p0 $0x0  }
0x2c: {  	s9 =	rddreg [dreg:$0x2];
	[sflag:s2] =	ssyncadd.s32 @!p0 $0xFFFFD800  }
0x2d: {  	[tilespmem:s14], [sflag:$0x1] =	stream.indirect.gather [hbm4b:s9+s13], $0x80, s8, s13, $0xb8;
	[tilespmem:$0xC000] =	vst v63  }
0x2e: {  	s11 =	rddreg [dreg:$0x3]  }
0x2f: {  	[tilespmem:s15], [sflag:$0x2] =	stream.indirect.gather [hbm4b:s11+s13], $0x80, s8, s13, $0xb8;
	[tilespmem:$0xC000] =	vst v63  }
0x30: {  	s22 =	rddreg [dreg:$0x4]  }
0x31: {  	[tilespmem:s16], [sflag:$0x3] =	stream.indirect.gather [hbm4b:s22+s13], $0x80, s25, s13, $0xb8;
	[tilespmem:$0xC000] =	vst v63  }
0x32: {  	_ = 	snop  }
0x33: {  	[tilespmem:s17], [sflag:$0x4] =	stream.indirect.gather [hbm4b:s3+s13], $0x80, s25, s13, $0xb8;
	[tilespmem:$0xC000] =	vst v63  }
0x34: {  	_ =	swait.ge [sflag:s18], $0x2800  }
0x35: {  	[sflag:s18] =	ssyncset.done $0x0  }
0x36: {  	[sflag:s18] =	ssyncadd.s32 $0xFFFFD800  }
0x37: {  	_ =	swait.ge [sflag:s19], $0x2800  }
0x38: {  	[sflag:s19] =	ssyncset.done $0x0  }
0x39: {  	[sflag:s19] =	ssyncadd.s32 $0xFFFFD800  }
0x3a: {  	_ =	swait.ge [sflag:s20], $0x2800  }
0x3b: {  	[sflag:s20] =	ssyncset.done $0x0  }
0x3c: {  	[sflag:s20] =	ssyncadd.s32 $0xFFFFD800  }
0x3d: {  	s23 =	sadd.s32 $0x0, s31;
	_ =	swait.ge [sflag:s21], $0x2800  }
0x3e: {  	s24 =	sadd.s32 $0x0, s30;
	s10 =	sadd.s32 $0x0, s28;
	[sflag:s21] =	ssyncset.done $0x0  }
0x3f: {  	s7 =	simm.s32 $0x1080;
	s2 =	simm.s32 $0x500;
	[sflag:s21] =	ssyncadd.s32 $0xFFFFD800  }
0x40: {  	[hbm4b:s23+s1] =	stream.linear.scatter [tilespmem:s14], [sflag:$0x5], $0x2800, $0x38;
	[tilespmem:$0xC000] =	vst v63  }
0x41: {  	s9 =	sadd.s32 $0x500, s28;
	s11 =	simm.s32 $0xA00;
	s22 =	simm.s32 $0x1  }
0x42: {  	[hbm4b:s24+s1] =	stream.linear.scatter [tilespmem:s15], [sflag:$0x6], $0x2800, $0x38;
	[tilespmem:$0xC000] =	vst v63  }
0x43: {  	s8 =	simm.s32 $0x80;
	s25 =	sadd.s32 $0x0, s29;
	s24 =	sor.u32 s0, s22  }
0x44: {  	[hbm4b:s25+s1] =	stream.linear.scatter [tilespmem:s16], [sflag:$0x7], $0x2800, $0x38;
	[tilespmem:$0xC000] =	vst v63  }
.LBB2_3:
0x45: {  	p1 =	seq.s32 s24, $0x0  }
0x46: {  	[hbm4b:s10+s1] =	stream.linear.scatter [tilespmem:s17], [sflag:$0x8], $0x2800, $0x38;
	[tilespmem:$0xC000] =	vst v63  }
0x47: {  	s24 =	simm.s32 @!p1 $0x5  }
0x48: {  	_ =	swait.ge @!p1 [sflag:s24], $0x2800  }
0x49: {  	[sflag:s24] =	ssyncset.done @!p1 $0x0  }
0x4a: {  	[sflag:s24] =	ssyncadd.s32 @!p1 $0xFFFFD800;
	s24 =	simm.s32 @!p1 $0x6  }
0x4b: {  	_ =	swait.ge @!p1 [sflag:s24], $0x2800  }
0x4c: {  	[sflag:s24] =	ssyncset.done @!p1 $0x0  }
0x4d: {  	[sflag:s24] =	ssyncadd.s32 @!p1 $0xFFFFD800;
	s24 =	simm.s32 @!p1 $0x7  }
0x4e: {  	_ =	swait.ge @!p1 [sflag:s24], $0x2800  }
0x4f: {  	[sflag:s24] =	ssyncset.done @!p1 $0x0  }
0x50: {  	[sflag:s24] =	ssyncadd.s32 @!p1 $0xFFFFD800;
	s24 =	simm.s32 @!p1 $0x8  }
0x51: {  	_ =	swait.ge @!p1 [sflag:s24], $0x2800  }
0x52: {  	s25 =	sadd.s32 s11, s28;
	s10 =	smov.u32 s9;
	[sflag:s24] =	ssyncset.done @!p1 $0x0  }
0x53: {  	s9 =	smov.u32 s25;
	s25 =	rddreg [dreg:$0x2];
	[sflag:s24] =	ssyncadd.s32 @!p1 $0xFFFFD800  }
0x54: {  	[tilespmem:s14], [sflag:$0x1] =	stream.indirect.gather [hbm4b:s25+s13], $0x80, s8, s13, $0xb8;
	[tilespmem:$0xC000] =	vst v63  }
0x55: {  	s24 =	rddreg [dreg:$0x3]  }
0x56: {  	[tilespmem:s15], [sflag:$0x2] =	stream.indirect.gather [hbm4b:s24+s13], $0x80, s8, s13, $0xb8;
	[tilespmem:$0xC000] =	vst v63  }
0x57: {  	s25 =	rddreg [dreg:$0x4]  }
0x58: {  	[tilespmem:s16], [sflag:$0x3] =	stream.indirect.gather [hbm4b:s25+s13], $0x80, s7, s13, $0xb8;
	[tilespmem:$0xC000] =	vst v63  }
0x59: {  	_ = 	snop  }
0x5a: {  	[tilespmem:s17], [sflag:$0x4] =	stream.indirect.gather [hbm4b:s3+s13], $0x80, s7, s13, $0xb8;
	[tilespmem:$0xC000] =	vst v63  }
0x5b: {  	_ =	swait.ge [sflag:s18], $0x2800  }
0x5c: {  	[sflag:s18] =	ssyncset.done $0x0  }
0x5d: {  	[sflag:s18] =	ssyncadd.s32 $0xFFFFD800  }
0x5e: {  	_ =	swait.ge [sflag:s19], $0x2800  }
0x5f: {  	[sflag:s19] =	ssyncset.done $0x0  }
0x60: {  	[sflag:s19] =	ssyncadd.s32 $0xFFFFD800  }
0x61: {  	_ =	swait.ge [sflag:s20], $0x2800  }
0x62: {  	[sflag:s20] =	ssyncset.done $0x0  }
0x63: {  	[sflag:s20] =	ssyncadd.s32 $0xFFFFD800  }
0x64: {  	s23 =	smov.u32 s2;
	_ =	swait.ge [sflag:s21], $0x2800  }
0x65: {  	s2 =	smov.u32 s11;
	s11 =	sadd.s32 $0x500, s11;
	[sflag:s21] =	ssyncset.done $0x0  }
0x66: {  	p0 =	sne.s32 s11, $0x7D00;
	s25 =	sadd.s32 s23, s31;
	[sflag:s21] =	ssyncadd.s32 $0xFFFFD800  }
0x67: {  	[hbm4b:s25+s1] =	stream.linear.scatter [tilespmem:s14], [sflag:$0x5], $0x2800, $0x38;
	[tilespmem:$0xC000] =	vst v63  }
.Ltmp0:
0x68: {  	s22 =	sadd.s32 $0x1, s22;
	(pc) =	sbr.rel @p0 .LBB2_3-.Ltmp0, $4  }
0x69: {  	s24 =	sor.u32 s0, s22;
	s25 =	sadd.s32 s23, s30  }
0x6a: {  	[hbm4b:s25+s1] =	stream.linear.scatter [tilespmem:s15], [sflag:$0x6], $0x2800, $0x38;
	[tilespmem:$0xC000] =	vst v63  }
0x6b: {  	s8 =	sadd.s32 $0x80, s8;
	s7 =	sadd.s32 $0x80, s7;
	s23 =	sadd.s32 s23, s29  }
0x6c: {  	[hbm4b:s23+s1] =	stream.linear.scatter [tilespmem:s16], [sflag:$0x7], $0x2800, $0x38;
	[tilespmem:$0xC000] =	vst v63  }
0x6d: {  	p0 =	seq.s32 s24, $0x0  }
0x6e: {  	[hbm4b:s10+s1] =	stream.linear.scatter [tilespmem:s17], [sflag:$0x8], $0x2800, $0x38;
	[tilespmem:$0xC000] =	vst v63  }
0x6f: {  	s11 =	simm.s32 @!p0 $0x5  }
0x70: {  	_ =	swait.ge @!p0 [sflag:s11], $0x2800  }
0x71: {  	[sflag:s11] =	ssyncset.done @!p0 $0x0  }
0x72: {  	s10 =	simm.s32 @!p0 $0x6;
	[sflag:s11] =	ssyncadd.s32 @!p0 $0xFFFFD800  }
0x73: {  	_ =	swait.ge @!p0 [sflag:s10], $0x2800  }
0x74: {  	[sflag:s10] =	ssyncset.done @!p0 $0x0  }
0x75: {  	[sflag:s10] =	ssyncadd.s32 @!p0 $0xFFFFD800;
	s10 =	simm.s32 @!p0 $0x7  }
0x76: {  	_ =	swait.ge @!p0 [sflag:s10], $0x2800  }
0x77: {  	[sflag:s10] =	ssyncset.done @!p0 $0x0  }
0x78: {  	[sflag:s10] =	ssyncadd.s32 @!p0 $0xFFFFD800;
	s10 =	simm.s32 @!p0 $0x8  }
0x79: {  	_ =	swait.ge @!p0 [sflag:s10], $0x2800  }
0x7a: {  	[sflag:s10] =	ssyncset.done @!p0 $0x0  }
0x7b: {  	s24 =	rddreg [dreg:$0x2];
	[sflag:s10] =	ssyncadd.s32 @!p0 $0xFFFFD800  }
0x7c: {  	[tilespmem:s14], [sflag:$0x1] =	stream.indirect.gather [hbm4b:s24+s13], $0x80, s8, s13, $0xb8;
	[tilespmem:$0xC000] =	vst v63  }
0x7d: {  	s25 =	rddreg [dreg:$0x3]  }
0x7e: {  	[tilespmem:s15], [sflag:$0x2] =	stream.indirect.gather [hbm4b:s25+s13], $0x80, s8, s13, $0xb8;
	[tilespmem:$0xC000] =	vst v63  }
0x7f: {  	s22 =	rddreg [dreg:$0x4]  }
0x80: {  	[tilespmem:s16], [sflag:$0x3] =	stream.indirect.gather [hbm4b:s22+s13], $0x80, s7, s13, $0xb8;
	[tilespmem:$0xC000] =	vst v63  }
0x81: {  	_ = 	snop  }
0x82: {  	[tilespmem:s17], [sflag:$0x4] =	stream.indirect.gather [hbm4b:s3+s13], $0x80, s7, s13, $0xb8;
	[tilespmem:$0xC000] =	vst v63  }
0x83: {  	_ =	swait.ge [sflag:s18], $0x2800  }
0x84: {  	[sflag:s18] =	ssyncset.done $0x0  }
0x85: {  	[sflag:s18] =	ssyncadd.s32 $0xFFFFD800  }
0x86: {  	_ =	swait.ge [sflag:s19], $0x2800  }
0x87: {  	[sflag:s19] =	ssyncset.done $0x0  }
0x88: {  	[sflag:s19] =	ssyncadd.s32 $0xFFFFD800  }
0x89: {  	_ =	swait.ge [sflag:s20], $0x2800  }
0x8a: {  	[sflag:s20] =	ssyncset.done $0x0  }
0x8b: {  	[sflag:s20] =	ssyncadd.s32 $0xFFFFD800  }
0x8c: {  	_ =	swait.ge [sflag:s21], $0x2800  }
0x8d: {  	[sflag:s21] =	ssyncset.done $0x0  }
0x8e: {  	s23 =	sadd.s32 s2, s31;
	s0 =	sadd.s32 $0x1, s0;
	[sflag:s21] =	ssyncadd.s32 $0xFFFFD800  }
0x8f: {  	[hbm4b:s23+s1] =	stream.linear.scatter [tilespmem:s14], [sflag:$0x5], $0x2800, $0x38;
	[tilespmem:$0xC000] =	vst v63  }
0x90: {  	p0 =	sne.s32 s0, $0x5;
	s24 =	sadd.s32 s2, s30  }
0x91: {  	[hbm4b:s24+s1] =	stream.linear.scatter [tilespmem:s15], [sflag:$0x6], $0x2800, $0x38;
	[tilespmem:$0xC000] =	vst v63  }
.Ltmp1:
0x92: {  	_ = 	snop;
	(pc) =	sbr.rel @p0 .LBB2_2-.Ltmp1, $4  }
0x93: {  	s31 =	sadd.s32 $0x7D00, s31;
	s25 =	sadd.s32 s2, s29  }
0x94: {  	[hbm4b:s25+s1] =	stream.linear.scatter [tilespmem:s16], [sflag:$0x7], $0x2800, $0x38;
	[tilespmem:$0xC000] =	vst v63  }
0x95: {  	s28 =	sadd.s32 $0x7D00, s28;
	s30 =	sadd.s32 $0x7D00, s30;
	s29 =	sadd.s32 $0x7D00, s29  }
0x96: {  	[hbm4b:s9+s1] =	stream.linear.scatter [tilespmem:s17], [sflag:$0x8], $0x2800, $0x38;
	[tilespmem:$0xC000] =	vst v63  }
0x97: {  	s0 =	simm.s32 $0x5  }
0x98: {  	_ =	swait.ge [sflag:s0], $0x2800  }
0x99: {  	[sflag:s0] =	ssyncset.done $0x0  }
0x9a: {  	s29 =	simm.s32 $0x6;
	[sflag:s0] =	ssyncadd.s32 $0xFFFFD800  }
0x9b: {  	_ =	swait.ge [sflag:s29], $0x2800  }
0x9c: {  	[sflag:s29] =	ssyncset.done $0x0  }
0x9d: {  	s30 =	simm.s32 $0x7;
	[sflag:s29] =	ssyncadd.s32 $0xFFFFD800  }
0x9e: {  	_ =	swait.ge [sflag:s30], $0x2800  }
0x9f: {  	[sflag:s30] =	ssyncset.done $0x0  }
0xa0: {  	s2 =	simm.s32 $0x8;
	[sflag:s30] =	ssyncadd.s32 $0xFFFFD800  }
0xa1: {  	_ =	swait.ge [sflag:s2], $0x2800  }
0xa2: {  	s26 =	sadd.s32 $0x1, s26;
	s31 =	rddreg [dreg:$0x7]  }
0xa3: {  	p0 =	sne.s32 s26, s31  }
.Ltmp2:
0xa4: {  	_ = 	snop;
	(pc) =	sbr.rel @p0 .LBB2_1-.Ltmp2, $3  }
0xa5: {  	_ =	sdelay $0x1  }
0xa6: {  	[sflag:s2] =	ssyncset.done $0x0  }
0xa7: {  	[sflag:s2] =	ssyncadd.s32 $0xFFFFD800  }
0xa8: {  	_ =	sfence.sel $0x180000  }
0xa9: {  	[bflag:$0x0] =	sbarrier.arrive $0xFFFF  }
0xaa: {  	_ =	strace $0x90000047  }
0xab: {  	s0 =	stileid.u32;
	[bflag:$0x2] =	sbarrier.arrive $0xFFFF  }
0xac: {  	p0 =	sne.s32 s0, $0x0;
	s0 =	rddreg [dreg:$0x1]  }
0xad: {  	s0 =	sadd.s32 @!p0 $0x100000, s0  }
0xae: {  	[sflag:s0] =	ssyncadd.tile.s32 @!p0 $0x1;
	_ =	shalt  }
.Lfunc_end2:
_tile_overlayer_lowered:
.L_overlay_start_2:
0xaf: {  	(tag) =	ssettag $0x2  }
0xb0: {  	s0 =	rddreg [dreg:$0x0];
	s2 =	stileid.u32  }
0xb1: {  	s1 =	rddreg [dreg:$0x1];
	p0 =	sne.s32 s2, $0x0  }
0xb2: {  	s3 =	rddreg [dreg:$0x2];
	[bflag:$0x3] =	sbarrier.arrive $0xFFFF;
	s2 =	simm.s32 @!p0 $0x1C09  }
0xb3: {  	[timem:s3], [sflag:s2] =	dma.local @!p0 [hbm:s0], s1  }
0xb4: {  	s0 =	simm.s32 @!p0 $0x9  }
0xb5: {  	_ =	swait.ge @!p0 [sflag:s0], s1  }
0xb6: {  	s1 =	ssub.s32 @!p0 $0x0, s1;
	[sflag:s0] =	ssyncset.done @!p0 $0x0  }
0xb7: {  	[sflag:s0] =	ssyncadd.s32 @!p0 s1  }
0xb8: {  	[bflag:$0x3] =	sbarrier.arrive $0xFFFF  }
0xb9: {  	_ =	shalt  }

// kernel: kernel.25.cloned.1.call-start
scs
__scs_entry_jumppad:
0x0: {  	(pc) =	sbr.rel $0x88, $3  }
0x1: {  	(tag) =	ssettag $0x0;
	lr =	simm.s32 $0x1  }
0x2: {  	[smem:$0x3F8F] =	sst lr;
	_ =	strace $0xD0000000  }
0x3: {  	_ = 	snop  }
0x4: {  	_ = 	snop  }
0x5: {  	_ = 	snop  }
0x6: {  	_ = 	snop  }
0x7: {  	_ = 	snop  }
__scs_overlays_trampoline_lowered:
0x8: {  	[smem:$0x3F9E] =	sst s0  }
0x9: {  	[smem:$0x3F9F] =	sst s1  }
0xa: {  	[smem:$0x3FA0] =	sst s2  }
0xb: {  	[smem:$0x3FA1] =	sst s3  }
0xc: {  	[smem:$0x3FA2] =	sst s4  }
0xd: {  	[smem:$0x3FA3] =	sst s5  }
0xe: {  	[smem:$0x3FA4] =	sst s6  }
0xf: {  	[smem:$0x3FA5] =	sst s7  }
0x10: {  	[smem:$0x3FA6] =	sst s8  }
0x11: {  	[smem:$0x3FA7] =	sst s9;
	s0 =	simm.s32 @!p0 $0x0  }
0x12: {  	s1 =	sld [smem:$0x3F8D];
	s0 =	simm.s32 @p0 $0x1  }
0x13: {  	[smem:$0x3FA8] =	sst s0;
	s0 =	simm.s32 @!p1 $0x0  }
0x14: {  	s2 =	sld [smem:$0x3F8C];
	s0 =	simm.s32 @p1 $0x1  }
0x15: {  	[smem:$0x3FA9] =	sst s0;
	s0 =	simm.s32 @!p2 $0x0  }
0x16: {  	s3 =	sld [smem:$0x3FDB];
	s0 =	simm.s32 @p2 $0x1  }
0x17: {  	s4 =	simm.s32 $0x1BF5;
	[smem:$0x3FAB] =	sst s0  }
0x18: {  	s0 =	sld [smem:$0x3F8E];
	_ =	swait.ge [sflag:s4], $0x0  }
0x19: {  	s7 =	sld [smem:$0x3F8F]  }
0x1a: {  	s8 =	sadd.s32 $0xFFFFE003, lr  }
0x1b: {  	s9 =	sadd.s32 $0xFFFFFEF7, lr;
	s5 =	simm.s32 $0xFFFFFFFF;
	p2 =	slt.u32 s8, $0xFFFFF086  }
0x1c: {  	p1 =	slt.u32 s9, $0xF7A;
	s5 =	simm.s32 @!p2 $0x0  }
0x1d: {  	s5 =	simm.s32 @p1 $0x1;
	p0 =	seq.s32 s7, s2  }
0x1e: {  	s7 =	smul.u32 @!p0 $0xF7A, s2;
	p2 =	seq.s32 @!p0 s5, $0x0  }
0x1f: {  	s9 =	smul.u32 $0xF7A, s1;
	s8 =	simm.s32 @!p0 $0x1BF5;
	p2 =	por !p2, p0  }
0x20: {  	[sflag:s8] =	ssyncset.s32 @!p0 $0xFFFFF086;
	s6 =	sadd.s32 @!p0 s3, s7;
	s7 =	simm.s32 @!p0 $0x108  }
0x21: {  	s3 =	sadd.s32 s3, s9;
	s6 =	sadd.s32 @!p0 $0x88, s6;
	s7 =	simm.s32 @p2 $0x1082  }
0x22: {  	[simem:s7], [sflag:s8] =	dma.local @!p0 [hbm:s6], $0xF7A  }
0x23: {  	s9 =	sor.u32 $0xD0000000, s2;
	s6 =	simm.s32 $0x108;
	_ =	swait.ge @!p0 [sflag:s8], $0x0  }
0x24: {  	s3 =	sadd.s32 $0x88, s3;
	s6 =	simm.s32 @!p1 $0x1082;
	[sflag:s4] =	ssyncset.s32 $0xFFFFF086  }
0x25: {  	[simem:s6], [sflag:s4] =	dma.local [hbm:s3], $0xF7A  }
0x26: {  	[smem:$0x3F8F] =	sst s1;
	(tag) =	ssettag s2;
	_ =	strace s9  }
0x27: {  	s1 =	sld [smem:$0x3F9F]  }
0x28: {  	s2 =	sld [smem:$0x3FA0]  }
0x29: {  	s4 =	sld [smem:$0x3FA2]  }
0x2a: {  	p0 =	seq.s32 s5, $0x0;
	s5 =	sld [smem:$0x3FA3]  }
0x2b: {  	s6 =	sld [smem:$0x3FA4]  }
0x2c: {  	s7 =	sld [smem:$0x3FA5]  }
0x2d: {  	s3 =	simm.s32 $0x108;
	s8 =	sld [smem:$0x3FA6]  }
0x2e: {  	s3 =	simm.s32 @!p0 $0x1082;
	s9 =	sld [smem:$0x3FA7]  }
0x2f: {  	lr =	sadd.s32 s0, s3;
	s0 =	sld [smem:$0x3F9E]  }
0x30: {  	s3 =	sld [smem:$0x3FA1]  }
0x31: {  	[smem:$0x3FAA] =	sst s10  }
0x32: {  	s10 =	sld [smem:$0x3FA8];
	_ =	sdelay $0x3  }
0x33: {  	p0 =	seq.s32 s10, $0x1;
	s10 =	sld [smem:$0x3FAA];
	_ =	sdelay $0x3  }
0x34: {  	[smem:$0x3FAA] =	sst s10  }
0x35: {  	s10 =	sld [smem:$0x3FA9];
	_ =	sdelay $0x3  }
0x36: {  	p1 =	seq.s32 s10, $0x1;
	s10 =	sld [smem:$0x3FAA];
	_ =	sdelay $0x3  }
0x37: {  	[smem:$0x3FAA] =	sst s10  }
0x38: {  	s10 =	sld [smem:$0x3FAB]  }
0x39: {  	_ = 	snop;
	(pc) =	sbr.ind lr, $3  }
0x3a: {  	_ = 	snop  }
0x3b: {  	_ = 	snop  }
0x3c: {  	p2 =	seq.s32 s10, $0x1;
	s10 =	sld [smem:$0x3FAA]  }
0x3d: {  	_ =	shalt  }
0x3e: {  	_ =	shalt  }
0x3f: {  	_ =	shalt  }
0x40: {  	_ =	shalt  }
0x41: {  	_ =	shalt  }
0x42: {  	_ =	shalt  }
0x43: {  	_ =	shalt  }
0x44: {  	_ =	shalt  }
0x45: {  	_ =	shalt  }
0x46: {  	_ =	shalt  }
0x47: {  	_ =	shalt  }
0x48: {  	_ =	shalt  }
0x49: {  	_ =	shalt  }
0x4a: {  	_ =	shalt  }
0x4b: {  	_ =	shalt  }
0x4c: {  	_ =	shalt  }
0x4d: {  	_ =	shalt  }
0x4e: {  	_ =	shalt  }
0x4f: {  	_ =	shalt  }
0x50: {  	_ =	shalt  }
0x51: {  	_ =	shalt  }
0x52: {  	_ =	shalt  }
0x53: {  	_ =	shalt  }
0x54: {  	_ =	shalt  }
0x55: {  	_ =	shalt  }
0x56: {  	_ =	shalt  }
0x57: {  	_ =	shalt  }
0x58: {  	_ =	shalt  }
0x59: {  	_ =	shalt  }
0x5a: {  	_ =	shalt  }
0x5b: {  	_ =	shalt  }
0x5c: {  	_ =	shalt  }
0x5d: {  	_ =	shalt  }
0x5e: {  	_ =	shalt  }
0x5f: {  	_ =	shalt  }
0x60: {  	_ =	shalt  }
0x61: {  	_ =	shalt  }
0x62: {  	_ =	shalt  }
0x63: {  	_ =	shalt  }
0x64: {  	_ =	shalt  }
0x65: {  	_ =	shalt  }
0x66: {  	_ =	shalt  }
0x67: {  	_ =	shalt  }
0x68: {  	_ =	shalt  }
0x69: {  	_ =	shalt  }
0x6a: {  	_ =	shalt  }
0x6b: {  	_ =	shalt  }
0x6c: {  	_ =	shalt  }
0x6d: {  	_ =	shalt  }
0x6e: {  	_ =	shalt  }
0x6f: {  	_ =	shalt  }
0x70: {  	_ =	shalt  }
0x71: {  	_ =	shalt  }
0x72: {  	_ =	shalt  }
0x73: {  	_ =	shalt  }
0x74: {  	_ =	shalt  }
0x75: {  	_ =	shalt  }
0x76: {  	_ =	shalt  }
0x77: {  	_ =	shalt  }
0x78: {  	_ =	shalt  }
0x79: {  	_ =	shalt  }
0x7a: {  	_ =	shalt  }
0x7b: {  	_ =	shalt  }
0x7c: {  	_ =	shalt  }
0x7d: {  	_ =	shalt  }
0x7e: {  	_ =	shalt  }
0x7f: {  	_ =	shalt  }
0x80: {  	_ =	shalt  }
0x81: {  	_ =	shalt  }
0x82: {  	_ =	shalt  }
0x83: {  	_ =	shalt  }
0x84: {  	_ =	shalt  }
0x85: {  	_ =	shalt  }
0x86: {  	_ =	shalt  }
0x87: {  	_ =	shalt  }
.Lfunc_end0:
.L_simem_size_0:
called_computation.1_lowered:
.L_overlay_start_0:
0x88: {  	s2 =	sld [smem:$0x3FD9]  }
0x89: {  	s3 =	sld [smem:$0x3FFE];
	_ =	sdelay $0x1  }
0x8a: {  	s1 =	srdreg.scid  }
0x8b: {  	s0 =	sand.u32 $0x1, s1  }
0x8c: {  	s16 =	sshll.u32 s0, $0xA;
	s2 =	sadd.s32 s3, s2  }
0x8d: {  	s2 =	sadd.s32 s2, s16  }
0x8e: {  	[smem:$0x3FB6] =	sst s2  }
0x8f: {  	_ = 	snop  }
0x90: {  	(tm) =	ssettm $0x1  }
0x91: {  	s17 =	sld [smem:$0x3FFB];
	_ =	sdelay $0x3  }
0x92: {  	_ =	strace s17  }
0x93: {  	s2 =	sld [smem:$0x3FFC];
	_ =	sdelay $0x3  }
0x94: {  	_ =	strace s2  }
0x95: {  	s2 =	sld [smem:$0x3FFD];
	_ =	sdelay $0x3  }
0x96: {  	_ =	strace s2  }
0x97: {  	_ =	strace $0x8FFFFFFF  }
0x98: {  	s18 =	sld [smem:$0x3FDB];
	_ =	sdelay $0x1  }
0x99: {  	s19 =	simm.s32 $_scs_section_size  }
0x9a: {  	s4 =	simm.s32 $_size__tile_overlayer_lowered;
	s5 =	simm.s32 $_tile_overlayer_lowered  }
0x9b: {  	s22 =	simm.s32 $0x1BFF;
	s21 =	sshll.u32 s5, $0x1;
	s2 =	sadd.s32 s19, s18  }
0x9c: {  	s6 =	simm.s32 $0x0;
	s20 =	sshll.u32 s4, $0x1;
	s4 =	sadd.s32 s21, s2  }
0x9d: {  	[timem:s6], [sflag:s22] =	dma.local [hbm:s4], s20  }
0x9e: {  	_ =	swait.ge [sflag:s22], s20  }
0x9f: {  	s3 =	ssub.s32 $0x0, s20;
	[sflag:s22] =	ssyncset.done $0x0  }
0xa0: {  	[sflag:s22] =	ssyncadd.s32 s3;
	_ =	sdelay $0x1  }
0xa1: {  	s23 =	simm.s32 $0x1B8B  }
0xa2: {  	_ =	swait.ge [sflag:s23], $0x1  }
0xa3: {  	[sflag:s23] =	ssyncset.done $0x0  }
0xa4: {  	s25 =	simm.s32 $0x1B8E;
	s24 =	sld [smem:$0x3FFE];
	[sflag:s23] =	ssyncadd.s32 $0xFFFFFFFF  }
0xa5: {  	s26 =	simm.s32 $execute0_lowered;
	[smem:$0x3FD2] =	sst s25  }
0xa6: {  	s4 =	sshll.u32 s26, $0x1;
	_ =	strace $0x80000049;
	[dreg:$0x1] =	wrdreg $0xFFFFFFFF  }
0xa7: {  	s28 =	simm.s32 $_size_execute0_lowered;
	s2 =	sadd.s32 s2, s4;
	[dreg:$0x0] =	wrdreg $0x0  }
0xa8: {  	s4 =	sshll.u32 s28, $0x1;
	[dreg:$0x2] =	wrdreg s2  }
0xa9: {  	[dreg:$0x3] =	wrdreg s4  }
0xaa: {  	[dreg:$0x4] =	wrdreg $0xC0  }
0xab: {  	_ =	task [dreg:s6], $0x5FFFF  }
0xac: {  	[dreg:$0x1] =	wrdreg $0xFFFFFFFF  }
0xad: {  	[dreg:$0x0] =	wrdreg $0x60  }
0xae: {  	[dreg:$0x2] =	wrdreg s24  }
0xaf: {  	[dreg:$0x3] =	wrdreg $0x38000  }
0xb0: {  	[dreg:$0x4] =	wrdreg $0x9  }
0xb1: {  	_ =	task.clear_ibuf [dreg:s6], $0x5FFFF;
	_ =	strace $0x90000049  }
0xb2: {  	s29 =	simm.s32 $0x9;
	_ =	strace $0x8000004B  }
0xb3: {  	_ =	swait.ge [sflag:s29], $0x1  }
0xb4: {  	[sflag:s29] =	ssyncadd.s32 $0xFFFFFFFF  }
0xb5: {  	_ =	strace $0x9000004B  }
0xb6: {  	_ =	sfence  }
0xb7: {  	s30 =	sld [smem:$0x0];
	_ =	sdelay $0x2  }
0xb8: {  	s31 =	sshll.u32 s1, $0xD;
	s1 =	sshrl.u32 s1, $0x2  }
0xb9: {  	s3 =	sand.u32 $0x4000, s31;
	s1 =	sadd.s32 s1, s30  }
0xba: {  	s0 =	sor.u32 s3, s0;
	s1 =	sshll.u32 s1, $0x11  }
0xbb: {  	s0 =	sor.u32 s1, s0  }
0xbc: {  	s0 =	sadd.s32 $0x8F2B, s0  }
0xbd: {  	[sflag:s0] =	ssyncadd.remote.s32 $0x1  }
0xbe: {  	_ =	sfence.sel $0xFFFF  }
0xbf: {  	[dreg:$0x0] =	wrdreg $0xFFFFFFFF;
	(pc) =	sbr.abs _section_cstart, $3  }
0xc0: {  	[dreg:$0x1] =	wrdreg $0xFFFFFFFF  }
0xc1: {  	_ =	task.clear_ibuf [dreg:s6], $0x2FFFF;
	_ =	strace $0x9FFFFFFF  }
0xc2: {  	(tm) =	ssettm $0x7FFFFFFF  }
0xc3: {  	_ =	shalt  }
tec
execute0_lowered:
.L_overlay_start_1:
0x0: {  	(tag) =	ssettag $0x1  }
0x1: {  	s6 =	rddreg [dreg:$0x0]  }
0x2: {  	s2 =	rddreg [dreg:$0x1]  }
0x3: {  	s0 =	rddreg [dreg:$0x2];
	s3 =	simm.s32 $0x0;
	s1 =	stileid.u32  }
0x4: {  	s4 =	srdreg.scid;
	s15 =	simm.s32 $0x1000;
	s16 =	simm.s32 $0x50  }
0x5: {  	s17 =	simm.s32 $0x1;
	s18 =	simm.s32 $0x0;
	[smem:$0x7FF] =	sst s3  }
0x6: {  	s7 =	smul.u32 $0x14000, s1;
	s8 =	sand.u32 $0x1, s4;
	s4 =	sadd.s32 $0x1E46800, s6  }
0x7: {  	s5 =	sadd.s32 $0xD0800, s6;
	s12 =	smul.u32 $0x50000, s1;
	s25 =	sshll.u32 s1, $0x1  }
0x8: {  	s29 =	smul.u32 $0x4E200, s1;
	s31 =	sshll.u32 s1, $0x6;
	_ =	strace $0x8000004A  }
0x9: {  	s9 =	smul.u32 $0x140000, s8;
	s24 =	ssub.s32 $0x2, s8;
	s26 =	sor.u32 s8, s25  }
0xa: {  	s30 =	smul.u32 $0x27100, s8;
	s8 =	sor.u32 $0x1C02, s31;
	s10 =	sshrl.u32 s7, $0x3  }
0xb: {  	s11 =	sshrl.u32 s24, $0x1;
	s28 =	sshrl.u32 s12, $0x2;
	s12 =	sadd.s32 s29, s4  }
0xc: {  	s10 =	sadd.s32 s10, s6;
	s7 =	sadd.s32 s7, s9;
	s11 =	ssub.s32 s24, s11  }
0xd: {  	s14 =	sadd.s32 s28, s2;
	s9 =	smul.u32 $0x5000, s26;
	s12 =	sadd.s32 s30, s12  }
0xe: {  	s7 =	sshrl.u32 s7, $0x3;
	s11 =	smax.u32 s11, $0x1;
	s12 =	sadd.s32 $0x500, s12  }
0xf: {  	s13 =	sadd.s32 s7, s6;
	s6 =	sadd.s32 $0x33800, s10;
	s7 =	smul.u32 $0x7D, s26  }
0x10: {  	s10 =	sadd.s32 $0x1482C00, s13;
	s13 =	sshrl.u32 s14, $0x3;
	s14 =	simm.s32 $0x2  }
.LBB2_1:
0x11: {  	[spmem:s13], [sflag:s8] =	dma.local [hbm:s6], $0x2800  }
0x12: {  	_ =	swait.ge [sflag:s14], $0x2800  }
0x13: {  	[sflag:s14] =	ssyncset.done $0x0  }
0x14: {  	[sflag:s14] =	ssyncadd.s32 $0xFFFFD800  }
0x15: {  	s19 =	smov.u32 s12;
	s20 =	simm.s32 $0x0;
	[bflag:$0x0] =	sbarrier.arrive $0xFFFF  }
.LBB2_2:
0x16: {  	p0 =	seq.s32 s20, $0x0  }
0x17: {  	s22 =	sshll.u32 s20, $0xC;
	s21 =	simm.s32 @!p0 $0x1  }
0x18: {  	s23 =	smul.u32 $0x19, s20;
	s22 =	sadd.s32 s9, s22;
	_ =	swait.ge @!p0 [sflag:s21], $0x2800  }
0x19: {  	s22 =	sshrl.u32 s22, $0x3;
	[sflag:s21] =	ssyncset.done @!p0 $0x0  }
0x1a: {  	s23 =	sadd.s32 s7, s23;
	s30 =	sadd.s32 s5, s22;
	[sflag:s21] =	ssyncadd.s32 @!p0 $0xFFFFD800  }
0x1b: {  	[tilespmem:s3], [sflag:$0x2] =	stream.linear.gather [hbm4b:s30+s3], $0x1000, $0x38;
	[tilespmem:$0x17800] =	vst v63  }
0x1c: {  	s31 =	smul.u32 $0x500, s23;
	_ =	swait.ge [sflag:s14], $0x1000  }
0x1d: {  	[sflag:s14] =	ssyncset.done $0x0  }
0x1e: {  	s21 =	sadd.s32 s4, s31;
	[sflag:s14] =	ssyncadd.s32 $0xFFFFF000  }
0x1f: {  	[tilespmem:s15], [sflag:$0x2] =	stream.linear.gather [hbm4b:s21+s3], $0x2800, $0x38;
	[tilespmem:$0x17800] =	vst v63  }
0x20: {  	_ =	swait.ge [sflag:s14], $0x2800  }
0x21: {  	[sflag:s14] =	ssyncset.done $0x0  }
0x22: {  	[sflag:s14] =	ssyncadd.s32 $0xFFFFD800  }
0x23: {  	[spmem:s2] =	stream.indirect.scatter.add.f32 [tilespmem:s15], [sflag:$0x1], $0x80, s3, s16, $0xb8;
	[tilespmem:$0x17800] =	vst v63  }
0x24: {  	_ =	swait.ge [sflag:s17], $0x2800  }
0x25: {  	[sflag:s17] =	ssyncset.done $0x0  }
0x26: {  	[sflag:s17] =	ssyncadd.s32 $0xFFFFD800  }
0x27: {  	[tilespmem:s15], [sflag:$0x2] =	stream.linear.gather [hbm4b:s19+s3], $0x2800, $0x38;
	[tilespmem:$0x17800] =	vst v63  }
0x28: {  	_ =	swait.ge [sflag:s14], $0x2800  }
0x29: {  	s23 =	simm.s32 $0x80;
	[sflag:s14] =	ssyncset.done $0x0  }
0x2a: {  	s22 =	sadd.s32 $0x500, s19;
	s21 =	simm.s32 $0x400;
	[sflag:s14] =	ssyncadd.s32 $0xFFFFD800  }
.LBB2_3:
0x2b: {  	[spmem:s2] =	stream.indirect.scatter.add.f32 [tilespmem:s15], [sflag:$0x1], $0x80, s23, s16, $0xb8;
	[tilespmem:$0x17800] =	vst v63  }
0x2c: {  	s23 =	smov.u32 s21  }
0x2d: {  	p0 =	sne.s32 s21, $0x3000;
	s21 =	sadd.s32 $0x200, s21;
	_ =	swait.ge [sflag:s17], $0x2800  }
0x2e: {  	[sflag:s17] =	ssyncset.done $0x0  }
.Ltmp0:
0x2f: {  	[sflag:s17] =	ssyncadd.s32 $0xFFFFD800;
	(pc) =	sbr.rel @p0 .LBB2_3-.Ltmp0, $4  }
0x30: {  	[tilespmem:s15], [sflag:$0x2] =	stream.linear.gather [hbm4b:s22+s3], $0x2800, $0x38;
	[tilespmem:$0x17800] =	vst v63  }
0x31: {  	_ =	swait.ge [sflag:s14], $0x2800  }
0x32: {  	[sflag:s14] =	ssyncset.done $0x0  }
0x33: {  	s23 =	sshra.s32 s23, $0x2;
	s22 =	sadd.s32 $0x500, s22;
	[sflag:s14] =	ssyncadd.s32 $0xFFFFD800  }
0x34: {  	s20 =	sadd.s32 $0x1, s20  }
0x35: {  	p0 =	sne.s32 s20, $0x5  }
.Ltmp1:
0x36: {  	_ = 	snop;
	(pc) =	sbr.rel @p0 .LBB2_2-.Ltmp1, $3  }
0x37: {  	_ =	sdelay $0x1  }
0x38: {  	[spmem:s2] =	stream.indirect.scatter.add.f32 [tilespmem:s15], [sflag:$0x1], $0x80, s23, s16, $0xb8;
	[tilespmem:$0x17800] =	vst v63  }
0x39: {  	s19 =	sadd.s32 $0x7D00, s19  }
0x3a: {  	_ =	swait.ge [sflag:s17], $0x2800  }
0x3b: {  	s18 =	sadd.s32 $0x1, s18;
	[sflag:s17] =	ssyncset.done $0x0  }
0x3c: {  	p0 =	sne.s32 s18, s11;
	[sflag:s17] =	ssyncadd.s32 $0xFFFFD800  }
.Ltmp2:
0x3d: {  	[bflag:$0x0] =	sbarrier.arrive $0xFFFF;
	(pc) =	sbr.rel @p0 .LBB2_1-.Ltmp2, $4  }
0x3e: {  	[hbm:s10], [sflag:s8] =	dma.local [spmem:s13], $0x2800  }
0x3f: {  	_ =	swait.ge [sflag:s14], $0x2800  }
0x40: {  	[sflag:s14] =	ssyncset.done $0x0  }
0x41: {  	[sflag:s14] =	ssyncadd.s32 $0xFFFFD800  }
0x42: {  	_ =	sfence.sel $0x180000  }
0x43: {  	[bflag:$0x0] =	sbarrier.arrive $0xFFFF  }
0x44: {  	p0 =	sne.s32 s1, $0x0;
	_ =	strace $0x9000004A  }
0x45: {  	s0 =	sadd.s32 @!p0 $0x100000, s0;
	[bflag:$0x2] =	sbarrier.arrive $0xFFFF  }
0x46: {  	[sflag:s0] =	ssyncadd.tile.s32 @!p0 $0x1;
	_ =	shalt  }
.Lfunc_end2:
_tile_overlayer_lowered:
.L_overlay_start_2:
0x47: {  	(tag) =	ssettag $0x2  }
0x48: {  	s0 =	rddreg [dreg:$0x0];
	s2 =	stileid.u32  }
0x49: {  	s1 =	rddreg [dreg:$0x1];
	p0 =	sne.s32 s2, $0x0  }
0x4a: {  	s3 =	rddreg [dreg:$0x2];
	[bflag:$0x3] =	sbarrier.arrive $0xFFFF;
	s2 =	simm.s32 @!p0 $0x1C02  }
0x4b: {  	[timem:s3], [sflag:s2] =	dma.local @!p0 [hbm:s0], s1  }
0x4c: {  	s0 =	simm.s32 @!p0 $0x2  }
0x4d: {  	_ =	swait.ge @!p0 [sflag:s0], s1  }
0x4e: {  	s1 =	ssub.s32 @!p0 $0x0, s1;
	[sflag:s0] =	ssyncset.done @!p0 $0x0  }
0x4f: {  	[sflag:s0] =	ssyncadd.s32 @!p0 s1  }
0x50: {  	[bflag:$0x3] =	sbarrier.arrive $0xFFFF  }
0x51: {  	_ =	shalt  }

// kernel: kernel.28.cloned.1.call-start
scs
__scs_entry_jumppad:
0x0: {  	(pc) =	sbr.rel $0x88, $3  }
0x1: {  	(tag) =	ssettag $0x0;
	lr =	simm.s32 $0x1  }
0x2: {  	[smem:$0x3F8F] =	sst lr;
	_ =	strace $0xD0000000  }
0x3: {  	_ = 	snop  }
0x4: {  	_ = 	snop  }
0x5: {  	_ = 	snop  }
0x6: {  	_ = 	snop  }
0x7: {  	_ = 	snop  }
__scs_overlays_trampoline_lowered:
0x8: {  	[smem:$0x3F9E] =	sst s0  }
0x9: {  	[smem:$0x3F9F] =	sst s1  }
0xa: {  	[smem:$0x3FA0] =	sst s2  }
0xb: {  	[smem:$0x3FA1] =	sst s3  }
0xc: {  	[smem:$0x3FA2] =	sst s4  }
0xd: {  	[smem:$0x3FA3] =	sst s5  }
0xe: {  	[smem:$0x3FA4] =	sst s6  }
0xf: {  	[smem:$0x3FA5] =	sst s7  }
0x10: {  	[smem:$0x3FA6] =	sst s8  }
0x11: {  	[smem:$0x3FA7] =	sst s9;
	s0 =	simm.s32 @!p0 $0x0  }
0x12: {  	s1 =	sld [smem:$0x3F8D];
	s0 =	simm.s32 @p0 $0x1  }
0x13: {  	[smem:$0x3FA8] =	sst s0;
	s0 =	simm.s32 @!p1 $0x0  }
0x14: {  	s2 =	sld [smem:$0x3F8C];
	s0 =	simm.s32 @p1 $0x1  }
0x15: {  	[smem:$0x3FA9] =	sst s0;
	s0 =	simm.s32 @!p2 $0x0  }
0x16: {  	s3 =	sld [smem:$0x3FDB];
	s0 =	simm.s32 @p2 $0x1  }
0x17: {  	s4 =	simm.s32 $0x1BF5;
	[smem:$0x3FAB] =	sst s0  }
0x18: {  	s0 =	sld [smem:$0x3F8E];
	_ =	swait.ge [sflag:s4], $0x0  }
0x19: {  	s7 =	sld [smem:$0x3F8F]  }
0x1a: {  	s8 =	sadd.s32 $0xFFFFE003, lr  }
0x1b: {  	s9 =	sadd.s32 $0xFFFFFEF7, lr;
	s5 =	simm.s32 $0xFFFFFFFF;
	p2 =	slt.u32 s8, $0xFFFFF086  }
0x1c: {  	p1 =	slt.u32 s9, $0xF7A;
	s5 =	simm.s32 @!p2 $0x0  }
0x1d: {  	s5 =	simm.s32 @p1 $0x1;
	p0 =	seq.s32 s7, s2  }
0x1e: {  	s7 =	smul.u32 @!p0 $0xF7A, s2;
	p2 =	seq.s32 @!p0 s5, $0x0  }
0x1f: {  	s9 =	smul.u32 $0xF7A, s1;
	s8 =	simm.s32 @!p0 $0x1BF5;
	p2 =	por !p2, p0  }
0x20: {  	[sflag:s8] =	ssyncset.s32 @!p0 $0xFFFFF086;
	s6 =	sadd.s32 @!p0 s3, s7;
	s7 =	simm.s32 @!p0 $0x108  }
0x21: {  	s3 =	sadd.s32 s3, s9;
	s6 =	sadd.s32 @!p0 $0x88, s6;
	s7 =	simm.s32 @p2 $0x1082  }
0x22: {  	[simem:s7], [sflag:s8] =	dma.local @!p0 [hbm:s6], $0xF7A  }
0x23: {  	s9 =	sor.u32 $0xD0000000, s2;
	s6 =	simm.s32 $0x108;
	_ =	swait.ge @!p0 [sflag:s8], $0x0  }
0x24: {  	s3 =	sadd.s32 $0x88, s3;
	s6 =	simm.s32 @!p1 $0x1082;
	[sflag:s4] =	ssyncset.s32 $0xFFFFF086  }
0x25: {  	[simem:s6], [sflag:s4] =	dma.local [hbm:s3], $0xF7A  }
0x26: {  	[smem:$0x3F8F] =	sst s1;
	(tag) =	ssettag s2;
	_ =	strace s9  }
0x27: {  	s1 =	sld [smem:$0x3F9F]  }
0x28: {  	s2 =	sld [smem:$0x3FA0]  }
0x29: {  	s4 =	sld [smem:$0x3FA2]  }
0x2a: {  	p0 =	seq.s32 s5, $0x0;
	s5 =	sld [smem:$0x3FA3]  }
0x2b: {  	s6 =	sld [smem:$0x3FA4]  }
0x2c: {  	s7 =	sld [smem:$0x3FA5]  }
0x2d: {  	s3 =	simm.s32 $0x108;
	s8 =	sld [smem:$0x3FA6]  }
0x2e: {  	s3 =	simm.s32 @!p0 $0x1082;
	s9 =	sld [smem:$0x3FA7]  }
0x2f: {  	lr =	sadd.s32 s0, s3;
	s0 =	sld [smem:$0x3F9E]  }
0x30: {  	s3 =	sld [smem:$0x3FA1]  }
0x31: {  	[smem:$0x3FAA] =	sst s10  }
0x32: {  	s10 =	sld [smem:$0x3FA8];
	_ =	sdelay $0x3  }
0x33: {  	p0 =	seq.s32 s10, $0x1;
	s10 =	sld [smem:$0x3FAA];
	_ =	sdelay $0x3  }
0x34: {  	[smem:$0x3FAA] =	sst s10  }
0x35: {  	s10 =	sld [smem:$0x3FA9];
	_ =	sdelay $0x3  }
0x36: {  	p1 =	seq.s32 s10, $0x1;
	s10 =	sld [smem:$0x3FAA];
	_ =	sdelay $0x3  }
0x37: {  	[smem:$0x3FAA] =	sst s10  }
0x38: {  	s10 =	sld [smem:$0x3FAB]  }
0x39: {  	_ = 	snop;
	(pc) =	sbr.ind lr, $3  }
0x3a: {  	_ = 	snop  }
0x3b: {  	_ = 	snop  }
0x3c: {  	p2 =	seq.s32 s10, $0x1;
	s10 =	sld [smem:$0x3FAA]  }
0x3d: {  	_ =	shalt  }
0x3e: {  	_ =	shalt  }
0x3f: {  	_ =	shalt  }
0x40: {  	_ =	shalt  }
0x41: {  	_ =	shalt  }
0x42: {  	_ =	shalt  }
0x43: {  	_ =	shalt  }
0x44: {  	_ =	shalt  }
0x45: {  	_ =	shalt  }
0x46: {  	_ =	shalt  }
0x47: {  	_ =	shalt  }
0x48: {  	_ =	shalt  }
0x49: {  	_ =	shalt  }
0x4a: {  	_ =	shalt  }
0x4b: {  	_ =	shalt  }
0x4c: {  	_ =	shalt  }
0x4d: {  	_ =	shalt  }
0x4e: {  	_ =	shalt  }
0x4f: {  	_ =	shalt  }
0x50: {  	_ =	shalt  }
0x51: {  	_ =	shalt  }
0x52: {  	_ =	shalt  }
0x53: {  	_ =	shalt  }
0x54: {  	_ =	shalt  }
0x55: {  	_ =	shalt  }
0x56: {  	_ =	shalt  }
0x57: {  	_ =	shalt  }
0x58: {  	_ =	shalt  }
0x59: {  	_ =	shalt  }
0x5a: {  	_ =	shalt  }
0x5b: {  	_ =	shalt  }
0x5c: {  	_ =	shalt  }
0x5d: {  	_ =	shalt  }
0x5e: {  	_ =	shalt  }
0x5f: {  	_ =	shalt  }
0x60: {  	_ =	shalt  }
0x61: {  	_ =	shalt  }
0x62: {  	_ =	shalt  }
0x63: {  	_ =	shalt  }
0x64: {  	_ =	shalt  }
0x65: {  	_ =	shalt  }
0x66: {  	_ =	shalt  }
0x67: {  	_ =	shalt  }
0x68: {  	_ =	shalt  }
0x69: {  	_ =	shalt  }
0x6a: {  	_ =	shalt  }
0x6b: {  	_ =	shalt  }
0x6c: {  	_ =	shalt  }
0x6d: {  	_ =	shalt  }
0x6e: {  	_ =	shalt  }
0x6f: {  	_ =	shalt  }
0x70: {  	_ =	shalt  }
0x71: {  	_ =	shalt  }
0x72: {  	_ =	shalt  }
0x73: {  	_ =	shalt  }
0x74: {  	_ =	shalt  }
0x75: {  	_ =	shalt  }
0x76: {  	_ =	shalt  }
0x77: {  	_ =	shalt  }
0x78: {  	_ =	shalt  }
0x79: {  	_ =	shalt  }
0x7a: {  	_ =	shalt  }
0x7b: {  	_ =	shalt  }
0x7c: {  	_ =	shalt  }
0x7d: {  	_ =	shalt  }
0x7e: {  	_ =	shalt  }
0x7f: {  	_ =	shalt  }
0x80: {  	_ =	shalt  }
0x81: {  	_ =	shalt  }
0x82: {  	_ =	shalt  }
0x83: {  	_ =	shalt  }
0x84: {  	_ =	shalt  }
0x85: {  	_ =	shalt  }
0x86: {  	_ =	shalt  }
0x87: {  	_ =	shalt  }
.Lfunc_end0:
.L_simem_size_0:
called_computation.2_lowered:
.L_overlay_start_0:
0x88: {  	s2 =	sld [smem:$0x3FD9]  }
0x89: {  	s3 =	sld [smem:$0x3FFE];
	_ =	sdelay $0x1  }
0x8a: {  	s1 =	srdreg.scid  }
0x8b: {  	s0 =	sand.u32 $0x1, s1  }
0x8c: {  	s16 =	sshll.u32 s0, $0xA;
	s2 =	sadd.s32 s3, s2  }
0x8d: {  	s2 =	sadd.s32 s2, s16  }
0x8e: {  	[smem:$0x3FB6] =	sst s2  }
0x8f: {  	_ = 	snop  }
0x90: {  	(tm) =	ssettm $0x1  }
0x91: {  	s17 =	sld [smem:$0x3FFB];
	_ =	sdelay $0x3  }
0x92: {  	_ =	strace s17  }
0x93: {  	s2 =	sld [smem:$0x3FFC];
	_ =	sdelay $0x3  }
0x94: {  	_ =	strace s2  }
0x95: {  	s2 =	sld [smem:$0x3FFD];
	_ =	sdelay $0x3  }
0x96: {  	_ =	strace s2  }
0x97: {  	_ =	strace $0x8FFFFFFF  }
0x98: {  	s18 =	sld [smem:$0x3FDB];
	_ =	sdelay $0x1  }
0x99: {  	s19 =	simm.s32 $_scs_section_size  }
0x9a: {  	s4 =	simm.s32 $_size__tile_overlayer_lowered;
	s5 =	simm.s32 $_tile_overlayer_lowered  }
0x9b: {  	s22 =	simm.s32 $0x1BFF;
	s21 =	sshll.u32 s5, $0x1;
	s2 =	sadd.s32 s19, s18  }
0x9c: {  	s6 =	simm.s32 $0x0;
	s20 =	sshll.u32 s4, $0x1;
	s4 =	sadd.s32 s21, s2  }
0x9d: {  	[timem:s6], [sflag:s22] =	dma.local [hbm:s4], s20  }
0x9e: {  	_ =	swait.ge [sflag:s22], s20  }
0x9f: {  	s3 =	ssub.s32 $0x0, s20;
	[sflag:s22] =	ssyncset.done $0x0  }
0xa0: {  	[sflag:s22] =	ssyncadd.s32 s3;
	_ =	sdelay $0x1  }
0xa1: {  	s23 =	simm.s32 $0x1B8B  }
0xa2: {  	_ =	swait.ge [sflag:s23], $0x1  }
0xa3: {  	[sflag:s23] =	ssyncset.done $0x0  }
0xa4: {  	s25 =	simm.s32 $0x1B8E;
	s24 =	sld [smem:$0x3FFE];
	[sflag:s23] =	ssyncadd.s32 $0xFFFFFFFF  }
0xa5: {  	s26 =	simm.s32 $execute0_lowered;
	[smem:$0x3FD2] =	sst s25  }
0xa6: {  	s4 =	sshll.u32 s26, $0x1;
	_ =	strace $0x8000004C;
	[dreg:$0x1] =	wrdreg $0xFFFFFFFF  }
0xa7: {  	s28 =	simm.s32 $_size_execute0_lowered;
	s2 =	sadd.s32 s2, s4;
	[dreg:$0x0] =	wrdreg $0x0  }
0xa8: {  	s4 =	sshll.u32 s28, $0x1;
	[dreg:$0x2] =	wrdreg s2  }
0xa9: {  	[dreg:$0x3] =	wrdreg s4  }
0xaa: {  	[dreg:$0x4] =	wrdreg $0xC0  }
0xab: {  	_ =	task [dreg:s6], $0x5FFFF  }
0xac: {  	[dreg:$0x1] =	wrdreg $0xFFFFFFFF  }
0xad: {  	[dreg:$0x0] =	wrdreg $0x60  }
0xae: {  	[dreg:$0x2] =	wrdreg s24  }
0xaf: {  	[dreg:$0x3] =	wrdreg $0x9  }
0xb0: {  	_ =	task.clear_ibuf [dreg:s6], $0x4FFFF;
	_ =	strace $0x9000004C  }
0xb1: {  	s29 =	simm.s32 $0x9;
	_ =	strace $0x8000004E  }
0xb2: {  	_ =	swait.ge [sflag:s29], $0x1  }
0xb3: {  	[sflag:s29] =	ssyncadd.s32 $0xFFFFFFFF  }
0xb4: {  	_ =	strace $0x9000004E  }
0xb5: {  	_ =	sfence  }
0xb6: {  	s30 =	sld [smem:$0x0];
	_ =	sdelay $0x2  }
0xb7: {  	s31 =	sshll.u32 s1, $0xD;
	s1 =	sshrl.u32 s1, $0x2  }
0xb8: {  	s3 =	sand.u32 $0x4000, s31;
	s1 =	sadd.s32 s1, s30  }
0xb9: {  	s0 =	sor.u32 s3, s0;
	s1 =	sshll.u32 s1, $0x11  }
0xba: {  	s0 =	sor.u32 s1, s0  }
0xbb: {  	s0 =	sadd.s32 $0x8F2B, s0  }
0xbc: {  	[sflag:s0] =	ssyncadd.remote.s32 $0x1  }
0xbd: {  	_ =	sfence.sel $0xFFFF  }
0xbe: {  	[dreg:$0x0] =	wrdreg $0xFFFFFFFF;
	(pc) =	sbr.abs _section_cstart, $3  }
0xbf: {  	[dreg:$0x1] =	wrdreg $0xFFFFFFFF  }
0xc0: {  	_ =	task.clear_ibuf [dreg:s6], $0x2FFFF;
	_ =	strace $0x9FFFFFFF  }
0xc1: {  	(tm) =	ssettm $0x7FFFFFFF  }
tec
execute0_lowered:
.L_overlay_start_1:
0x0: {  	(tag) =	ssettag $0x1  }
0x1: {  	s0 =	rddreg [dreg:$0x0];
	s1 =	simm.s32 $0x0  }
0x2: {  	s9 =	stileid.u32;
	s25 =	srdreg.scid;
	s12 =	simm.s32 $0x9  }
0x3: {  	s13 =	simm.s32 $0x50;
	s14 =	simm.s32 $0x2000;
	s15 =	simm.s32 $0x4800  }
0x4: {  	s16 =	simm.s32 $0x7000;
	s17 =	simm.s32 $0x9800;
	s18 =	simm.s32 $0x1  }
0x5: {  	s19 =	simm.s32 $0x2;
	[smem:$0x7FF] =	sst s1;
	s2 =	sadd.s32 $0x14A9E00, s0  }
0x6: {  	s23 =	sadd.s32 $0x5B800, s0;
	s24 =	sadd.s32 $0x1482C00, s0;
	s3 =	sadd.s32 $0xA9600, s0  }
0x7: {  	_ =	strace $0x8000004D;
	[dreg:$0x2] =	wrdreg s2;
	s2 =	sand.u32 $0x1, s25  }
0x8: {  	s4 =	sadd.s32 $0xE4800, s0;
	s6 =	smul.u32 $0x4E200, s9;
	s7 =	ssub.s32 $0x2, s2  }
0x9: {  	s5 =	sadd.s32 $0xD0800, s0;
	s8 =	smul.u32 $0x27100, s2;
	s26 =	sshrl.u32 s7, $0x1  }
0xa: {  	[dreg:$0x3] =	wrdreg s23;
	s0 =	sadd.s32 s6, s0;
	s7 =	ssub.s32 s7, s26  }
0xb: {  	[dreg:$0x4] =	wrdreg s24;
	s0 =	sadd.s32 s8, s0;
	s28 =	smax.u32 s7, $0x1  }
0xc: {  	s20 =	simm.s32 $0x3;
	s29 =	sadd.s32 $0x14D1000, s0;
	[dreg:$0x5] =	wrdreg s28  }
0xd: {  	s21 =	simm.s32 $0x4;
	s30 =	sadd.s32 $0x19B3000, s0;
	[dreg:$0x6] =	wrdreg s29  }
0xe: {  	s9 =	sshll.u32 s9, $0x1;
	s31 =	sadd.s32 $0xF8800, s0;
	[dreg:$0x7] =	wrdreg s30  }
0xf: {  	s2 =	sor.u32 s2, s9;
	s0 =	sadd.s32 $0x5DA800, s0;
	[dreg:$0x8] =	wrdreg s31  }
0x10: {  	s6 =	smul.u32 $0x5000, s2;
	s26 =	simm.s32 $0x0;
	[dreg:$0x9] =	wrdreg s0  }
.LBB2_1:
0x11: {  	s28 =	rddreg [dreg:$0x9]  }
0x12: {  	s29 =	rddreg [dreg:$0x8]  }
0x13: {  	s30 =	rddreg [dreg:$0x7]  }
0x14: {  	s31 =	rddreg [dreg:$0x6];
	s0 =	simm.s32 $0x0  }
.LBB2_2:
0x15: {  	s2 =	sshll.u32 s0, $0xC  }
0x16: {  	s2 =	sadd.s32 s6, s2  }
0x17: {  	s2 =	sshrl.u32 s2, $0x3  }
0x18: {  	s8 =	simm.s32 $0x0;
	s7 =	sadd.s32 s4, s2  }
0x19: {  	[tilespmem:s8], [sflag:$0x9] =	stream.linear.gather [hbm4b:s7+s8], $0x1000, $0x38;
	[tilespmem:$0xC000] =	vst v63  }
0x1a: {  	_ =	swait.ge [sflag:s12], $0x1000  }
0x1b: {  	[sflag:s12] =	ssyncset.done $0x0  }
0x1c: {  	s25 =	simm.s32 $0x1000;
	s2 =	sadd.s32 s5, s2;
	[sflag:s12] =	ssyncadd.s32 $0xFFFFF000  }
0x1d: {  	[tilespmem:s25], [sflag:$0x9] =	stream.linear.gather [hbm4b:s2+s8], $0x1000, $0x38;
	[tilespmem:$0xC000] =	vst v63  }
0x1e: {  	s10 =	sor.u32 s0, s8;
	_ =	swait.ge [sflag:s12], $0x1000  }
0x1f: {  	p0 =	seq.s32 s10, $0x0;
	[sflag:s12] =	ssyncset.done $0x0  }
0x20: {  	s2 =	simm.s32 @!p0 $0x5;
	[sflag:s12] =	ssyncadd.s32 $0xFFFFF000  }
0x21: {  	_ =	swait.ge @!p0 [sflag:s2], $0x2800  }
0x22: {  	[sflag:s2] =	ssyncset.done @!p0 $0x0  }
0x23: {  	[sflag:s2] =	ssyncadd.s32 @!p0 $0xFFFFD800;
	s2 =	simm.s32 @!p0 $0x6  }
0x24: {  	_ =	swait.ge @!p0 [sflag:s2], $0x2800  }
0x25: {  	[sflag:s2] =	ssyncset.done @!p0 $0x0  }
0x26: {  	[sflag:s2] =	ssyncadd.s32 @!p0 $0xFFFFD800;
	s2 =	simm.s32 @!p0 $0x7  }
0x27: {  	_ =	swait.ge @!p0 [sflag:s2], $0x2800  }
0x28: {  	[sflag:s2] =	ssyncset.done @!p0 $0x0  }
0x29: {  	[sflag:s2] =	ssyncadd.s32 @!p0 $0xFFFFD800;
	s2 =	simm.s32 @!p0 $0x8  }
0x2a: {  	_ =	swait.ge @!p0 [sflag:s2], $0x2800  }
0x2b: {  	[sflag:s2] =	ssyncset.done @!p0 $0x0  }
0x2c: {  	s9 =	rddreg [dreg:$0x2];
	[sflag:s2] =	ssyncadd.s32 @!p0 $0xFFFFD800  }
0x2d: {  	[tilespmem:s14], [sflag:$0x1] =	stream.indirect.gather [hbm4b:s9+s13], $0x80, s8, s13, $0xb8;
	[tilespmem:$0xC000] =	vst v63  }
0x2e: {  	s11 =	rddreg [dreg:$0x3]  }
0x2f: {  	[tilespmem:s15], [sflag:$0x2] =	stream.indirect.gather [hbm4b:s11+s13], $0x80, s8, s13, $0xb8;
	[tilespmem:$0xC000] =	vst v63  }
0x30: {  	s22 =	rddreg [dreg:$0x4]  }
0x31: {  	[tilespmem:s16], [sflag:$0x3] =	stream.indirect.gather [hbm4b:s22+s13], $0x80, s25, s13, $0xb8;
	[tilespmem:$0xC000] =	vst v63  }
0x32: {  	_ = 	snop  }
0x33: {  	[tilespmem:s17], [sflag:$0x4] =	stream.indirect.gather [hbm4b:s3+s13], $0x80, s25, s13, $0xb8;
	[tilespmem:$0xC000] =	vst v63  }
0x34: {  	_ =	swait.ge [sflag:s18], $0x2800  }
0x35: {  	[sflag:s18] =	ssyncset.done $0x0  }
0x36: {  	[sflag:s18] =	ssyncadd.s32 $0xFFFFD800  }
0x37: {  	_ =	swait.ge [sflag:s19], $0x2800  }
0x38: {  	[sflag:s19] =	ssyncset.done $0x0  }
0x39: {  	[sflag:s19] =	ssyncadd.s32 $0xFFFFD800  }
0x3a: {  	_ =	swait.ge [sflag:s20], $0x2800  }
0x3b: {  	[sflag:s20] =	ssyncset.done $0x0  }
0x3c: {  	[sflag:s20] =	ssyncadd.s32 $0xFFFFD800  }
0x3d: {  	s23 =	sadd.s32 $0x0, s31;
	_ =	swait.ge [sflag:s21], $0x2800  }
0x3e: {  	s24 =	sadd.s32 $0x0, s30;
	s10 =	sadd.s32 $0x0, s28;
	[sflag:s21] =	ssyncset.done $0x0  }
0x3f: {  	s7 =	sadd.s32 $0x500, s28;
	s2 =	simm.s32 $0x500;
	[sflag:s21] =	ssyncadd.s32 $0xFFFFD800  }
0x40: {  	[hbm4b:s23+s1] =	stream.linear.scatter [tilespmem:s14], [sflag:$0x5], $0x2800, $0x38;
	[tilespmem:$0xC000] =	vst v63  }
0x41: {  	s9 =	simm.s32 $0x80;
	s11 =	simm.s32 $0xA00;
	s22 =	simm.s32 $0x1  }
0x42: {  	[hbm4b:s24+s1] =	stream.linear.scatter [tilespmem:s15], [sflag:$0x6], $0x2800, $0x38;
	[tilespmem:$0xC000] =	vst v63  }
0x43: {  	s8 =	simm.s32 $0x1080;
	s25 =	sadd.s32 $0x0, s29;
	s24 =	sor.u32 s0, s22  }
0x44: {  	[hbm4b:s25+s1] =	stream.linear.scatter [tilespmem:s16], [sflag:$0x7], $0x2800, $0x38;
	[tilespmem:$0xC000] =	vst v63  }
.LBB2_3:
0x45: {  	p1 =	seq.s32 s24, $0x0  }
0x46: {  	[hbm4b:s10+s1] =	stream.linear.scatter [tilespmem:s17], [sflag:$0x8], $0x2800, $0x38;
	[tilespmem:$0xC000] =	vst v63  }
0x47: {  	s24 =	simm.s32 @!p1 $0x5  }
0x48: {  	_ =	swait.ge @!p1 [sflag:s24], $0x2800  }
0x49: {  	[sflag:s24] =	ssyncset.done @!p1 $0x0  }
0x4a: {  	[sflag:s24] =	ssyncadd.s32 @!p1 $0xFFFFD800;
	s24 =	simm.s32 @!p1 $0x6  }
0x4b: {  	_ =	swait.ge @!p1 [sflag:s24], $0x2800  }
0x4c: {  	[sflag:s24] =	ssyncset.done @!p1 $0x0  }
0x4d: {  	[sflag:s24] =	ssyncadd.s32 @!p1 $0xFFFFD800;
	s24 =	simm.s32 @!p1 $0x7  }
0x4e: {  	_ =	swait.ge @!p1 [sflag:s24], $0x2800  }
0x4f: {  	[sflag:s24] =	ssyncset.done @!p1 $0x0  }
0x50: {  	[sflag:s24] =	ssyncadd.s32 @!p1 $0xFFFFD800;
	s24 =	simm.s32 @!p1 $0x8  }
0x51: {  	_ =	swait.ge @!p1 [sflag:s24], $0x2800  }
0x52: {  	s25 =	sadd.s32 s11, s28;
	s10 =	smov.u32 s7;
	[sflag:s24] =	ssyncset.done @!p1 $0x0  }
0x53: {  	s7 =	smov.u32 s25;
	s25 =	rddreg [dreg:$0x2];
	[sflag:s24] =	ssyncadd.s32 @!p1 $0xFFFFD800  }
0x54: {  	[tilespmem:s14], [sflag:$0x1] =	stream.indirect.gather [hbm4b:s25+s13], $0x80, s9, s13, $0xb8;
	[tilespmem:$0xC000] =	vst v63  }
0x55: {  	s24 =	rddreg [dreg:$0x3]  }
0x56: {  	[tilespmem:s15], [sflag:$0x2] =	stream.indirect.gather [hbm4b:s24+s13], $0x80, s9, s13, $0xb8;
	[tilespmem:$0xC000] =	vst v63  }
0x57: {  	s25 =	rddreg [dreg:$0x4]  }
0x58: {  	[tilespmem:s16], [sflag:$0x3] =	stream.indirect.gather [hbm4b:s25+s13], $0x80, s8, s13, $0xb8;
	[tilespmem:$0xC000] =	vst v63  }
0x59: {  	_ = 	snop  }
0x5a: {  	[tilespmem:s17], [sflag:$0x4] =	stream.indirect.gather [hbm4b:s3+s13], $0x80, s8, s13, $0xb8;
	[tilespmem:$0xC000] =	vst v63  }
0x5b: {  	_ =	swait.ge [sflag:s18], $0x2800  }
0x5c: {  	[sflag:s18] =	ssyncset.done $0x0  }
0x5d: {  	[sflag:s18] =	ssyncadd.s32 $0xFFFFD800  }
0x5e: {  	_ =	swait.ge [sflag:s19], $0x2800  }
0x5f: {  	[sflag:s19] =	ssyncset.done $0x0  }
0x60: {  	[sflag:s19] =	ssyncadd.s32 $0xFFFFD800  }
0x61: {  	_ =	swait.ge [sflag:s20], $0x2800  }
0x62: {  	[sflag:s20] =	ssyncset.done $0x0  }
0x63: {  	[sflag:s20] =	ssyncadd.s32 $0xFFFFD800  }
0x64: {  	s23 =	smov.u32 s2;
	_ =	swait.ge [sflag:s21], $0x2800  }
0x65: {  	s2 =	smov.u32 s11;
	s11 =	sadd.s32 $0x500, s11;
	[sflag:s21] =	ssyncset.done $0x0  }
0x66: {  	p0 =	sne.s32 s11, $0x7D00;
	s25 =	sadd.s32 s23, s31;
	[sflag:s21] =	ssyncadd.s32 $0xFFFFD800  }
0x67: {  	[hbm4b:s25+s1] =	stream.linear.scatter [tilespmem:s14], [sflag:$0x5], $0x2800, $0x38;
	[tilespmem:$0xC000] =	vst v63  }
.Ltmp0:
0x68: {  	s22 =	sadd.s32 $0x1, s22;
	(pc) =	sbr.rel @p0 .LBB2_3-.Ltmp0, $4  }
0x69: {  	s24 =	sor.u32 s0, s22;
	s25 =	sadd.s32 s23, s30  }
0x6a: {  	[hbm4b:s25+s1] =	stream.linear.scatter [tilespmem:s15], [sflag:$0x6], $0x2800, $0x38;
	[tilespmem:$0xC000] =	vst v63  }
0x6b: {  	s9 =	sadd.s32 $0x80, s9;
	s8 =	sadd.s32 $0x80, s8;
	s23 =	sadd.s32 s23, s29  }
0x6c: {  	[hbm4b:s23+s1] =	stream.linear.scatter [tilespmem:s16], [sflag:$0x7], $0x2800, $0x38;
	[tilespmem:$0xC000] =	vst v63  }
0x6d: {  	p0 =	seq.s32 s24, $0x0  }
0x6e: {  	[hbm4b:s10+s1] =	stream.linear.scatter [tilespmem:s17], [sflag:$0x8], $0x2800, $0x38;
	[tilespmem:$0xC000] =	vst v63  }
0x6f: {  	s11 =	simm.s32 @!p0 $0x5  }
0x70: {  	_ =	swait.ge @!p0 [sflag:s11], $0x2800  }
0x71: {  	[sflag:s11] =	ssyncset.done @!p0 $0x0  }
0x72: {  	s10 =	simm.s32 @!p0 $0x6;
	[sflag:s11] =	ssyncadd.s32 @!p0 $0xFFFFD800  }
0x73: {  	_ =	swait.ge @!p0 [sflag:s10], $0x2800  }
0x74: {  	[sflag:s10] =	ssyncset.done @!p0 $0x0  }
0x75: {  	[sflag:s10] =	ssyncadd.s32 @!p0 $0xFFFFD800;
	s10 =	simm.s32 @!p0 $0x7  }
0x76: {  	_ =	swait.ge @!p0 [sflag:s10], $0x2800  }
0x77: {  	[sflag:s10] =	ssyncset.done @!p0 $0x0  }
0x78: {  	[sflag:s10] =	ssyncadd.s32 @!p0 $0xFFFFD800;
	s10 =	simm.s32 @!p0 $0x8  }
0x79: {  	_ =	swait.ge @!p0 [sflag:s10], $0x2800  }
0x7a: {  	[sflag:s10] =	ssyncset.done @!p0 $0x0  }
0x7b: {  	s24 =	rddreg [dreg:$0x2];
	[sflag:s10] =	ssyncadd.s32 @!p0 $0xFFFFD800  }
0x7c: {  	[tilespmem:s14], [sflag:$0x1] =	stream.indirect.gather [hbm4b:s24+s13], $0x80, s9, s13, $0xb8;
	[tilespmem:$0xC000] =	vst v63  }
0x7d: {  	s25 =	rddreg [dreg:$0x3]  }
0x7e: {  	[tilespmem:s15], [sflag:$0x2] =	stream.indirect.gather [hbm4b:s25+s13], $0x80, s9, s13, $0xb8;
	[tilespmem:$0xC000] =	vst v63  }
0x7f: {  	s22 =	rddreg [dreg:$0x4]  }
0x80: {  	[tilespmem:s16], [sflag:$0x3] =	stream.indirect.gather [hbm4b:s22+s13], $0x80, s8, s13, $0xb8;
	[tilespmem:$0xC000] =	vst v63  }
0x81: {  	_ = 	snop  }
0x82: {  	[tilespmem:s17], [sflag:$0x4] =	stream.indirect.gather [hbm4b:s3+s13], $0x80, s8, s13, $0xb8;
	[tilespmem:$0xC000] =	vst v63  }
0x83: {  	_ =	swait.ge [sflag:s18], $0x2800  }
0x84: {  	[sflag:s18] =	ssyncset.done $0x0  }
0x85: {  	[sflag:s18] =	ssyncadd.s32 $0xFFFFD800  }
0x86: {  	_ =	swait.ge [sflag:s19], $0x2800  }
0x87: {  	[sflag:s19] =	ssyncset.done $0x0  }
0x88: {  	[sflag:s19] =	ssyncadd.s32 $0xFFFFD800  }
0x89: {  	_ =	swait.ge [sflag:s20], $0x2800  }
0x8a: {  	[sflag:s20] =	ssyncset.done $0x0  }
0x8b: {  	[sflag:s20] =	ssyncadd.s32 $0xFFFFD800  }
0x8c: {  	_ =	swait.ge [sflag:s21], $0x2800  }
0x8d: {  	[sflag:s21] =	ssyncset.done $0x0  }
0x8e: {  	s23 =	sadd.s32 s2, s31;
	s0 =	sadd.s32 $0x1, s0;
	[sflag:s21] =	ssyncadd.s32 $0xFFFFD800  }
0x8f: {  	[hbm4b:s23+s1] =	stream.linear.scatter [tilespmem:s14], [sflag:$0x5], $0x2800, $0x38;
	[tilespmem:$0xC000] =	vst v63  }
0x90: {  	p0 =	sne.s32 s0, $0x5;
	s24 =	sadd.s32 s2, s30  }
0x91: {  	[hbm4b:s24+s1] =	stream.linear.scatter [tilespmem:s15], [sflag:$0x6], $0x2800, $0x38;
	[tilespmem:$0xC000] =	vst v63  }
.Ltmp1:
0x92: {  	_ = 	snop;
	(pc) =	sbr.rel @p0 .LBB2_2-.Ltmp1, $4  }
0x93: {  	s31 =	sadd.s32 $0x7D00, s31;
	s25 =	sadd.s32 s2, s29  }
0x94: {  	[hbm4b:s25+s1] =	stream.linear.scatter [tilespmem:s16], [sflag:$0x7], $0x2800, $0x38;
	[tilespmem:$0xC000] =	vst v63  }
0x95: {  	s28 =	sadd.s32 $0x7D00, s28;
	s30 =	sadd.s32 $0x7D00, s30;
	s29 =	sadd.s32 $0x7D00, s29  }
0x96: {  	[hbm4b:s7+s1] =	stream.linear.scatter [tilespmem:s17], [sflag:$0x8], $0x2800, $0x38;
	[tilespmem:$0xC000] =	vst v63  }
0x97: {  	s0 =	simm.s32 $0x5  }
0x98: {  	_ =	swait.ge [sflag:s0], $0x2800  }
0x99: {  	[sflag:s0] =	ssyncset.done $0x0  }
0x9a: {  	s29 =	simm.s32 $0x6;
	[sflag:s0] =	ssyncadd.s32 $0xFFFFD800  }
0x9b: {  	_ =	swait.ge [sflag:s29], $0x2800  }
0x9c: {  	[sflag:s29] =	ssyncset.done $0x0  }
0x9d: {  	s30 =	simm.s32 $0x7;
	[sflag:s29] =	ssyncadd.s32 $0xFFFFD800  }
0x9e: {  	_ =	swait.ge [sflag:s30], $0x2800  }
0x9f: {  	[sflag:s30] =	ssyncset.done $0x0  }
0xa0: {  	s2 =	simm.s32 $0x8;
	[sflag:s30] =	ssyncadd.s32 $0xFFFFD800  }
0xa1: {  	_ =	swait.ge [sflag:s2], $0x2800  }
0xa2: {  	s26 =	sadd.s32 $0x1, s26;
	s31 =	rddreg [dreg:$0x5]  }
0xa3: {  	p0 =	sne.s32 s26, s31  }
.Ltmp2:
0xa4: {  	_ = 	snop;
	(pc) =	sbr.rel @p0 .LBB2_1-.Ltmp2, $3  }
0xa5: {  	_ =	sdelay $0x1  }
0xa6: {  	[sflag:s2] =	ssyncset.done $0x0  }
0xa7: {  	[sflag:s2] =	ssyncadd.s32 $0xFFFFD800  }
0xa8: {  	_ =	sfence.sel $0x180000  }
0xa9: {  	[bflag:$0x0] =	sbarrier.arrive $0xFFFF  }
0xaa: {  	_ =	strace $0x9000004D  }
0xab: {  	s0 =	stileid.u32;
	[bflag:$0x2] =	sbarrier.arrive $0xFFFF  }
0xac: {  	p0 =	sne.s32 s0, $0x0;
	s0 =	rddreg [dreg:$0x1]  }
0xad: {  	s0 =	sadd.s32 @!p0 $0x100000, s0  }
0xae: {  	[sflag:s0] =	ssyncadd.tile.s32 @!p0 $0x1;
	_ =	shalt  }
.Lfunc_end2:
_tile_overlayer_lowered:
.L_overlay_start_2:
0xaf: {  	(tag) =	ssettag $0x2  }
0xb0: {  	s0 =	rddreg [dreg:$0x0];
	s2 =	stileid.u32  }
0xb1: {  	s1 =	rddreg [dreg:$0x1];
	p0 =	sne.s32 s2, $0x0  }
0xb2: {  	s3 =	rddreg [dreg:$0x2];
	[bflag:$0x3] =	sbarrier.arrive $0xFFFF;
	s2 =	simm.s32 @!p0 $0x1C09  }
0xb3: {  	[timem:s3], [sflag:s2] =	dma.local @!p0 [hbm:s0], s1  }
0xb4: {  	s0 =	simm.s32 @!p0 $0x9  }
0xb5: {  	_ =	swait.ge @!p0 [sflag:s0], s1  }
0xb6: {  	s1 =	ssub.s32 @!p0 $0x0, s1;
	[sflag:s0] =	ssyncset.done @!p0 $0x0  }
0xb7: {  	[sflag:s0] =	ssyncadd.s32 @!p0 s1  }
0xb8: {  	[bflag:$0x3] =	sbarrier.arrive $0xFFFF  }
0xb9: {  	_ =	shalt  }

// kernel: kernel.31.cloned.1.call-start
scs
__scs_entry_jumppad:
0x0: {  	(pc) =	sbr.rel $0x88, $3  }
0x1: {  	(tag) =	ssettag $0x0;
	lr =	simm.s32 $0x1  }
0x2: {  	[smem:$0x3F8F] =	sst lr;
	_ =	strace $0xD0000000  }
0x3: {  	_ = 	snop  }
0x4: {  	_ = 	snop  }
0x5: {  	_ = 	snop  }
0x6: {  	_ = 	snop  }
0x7: {  	_ = 	snop  }
__scs_overlays_trampoline_lowered:
0x8: {  	[smem:$0x3F9E] =	sst s0  }
0x9: {  	[smem:$0x3F9F] =	sst s1  }
0xa: {  	[smem:$0x3FA0] =	sst s2  }
0xb: {  	[smem:$0x3FA1] =	sst s3  }
0xc: {  	[smem:$0x3FA2] =	sst s4  }
0xd: {  	[smem:$0x3FA3] =	sst s5  }
0xe: {  	[smem:$0x3FA4] =	sst s6  }
0xf: {  	[smem:$0x3FA5] =	sst s7  }
0x10: {  	[smem:$0x3FA6] =	sst s8  }
0x11: {  	[smem:$0x3FA7] =	sst s9;
	s0 =	simm.s32 @!p0 $0x0  }
0x12: {  	s1 =	sld [smem:$0x3F8D];
	s0 =	simm.s32 @p0 $0x1  }
0x13: {  	[smem:$0x3FA8] =	sst s0;
	s0 =	simm.s32 @!p1 $0x0  }
0x14: {  	s2 =	sld [smem:$0x3F8C];
	s0 =	simm.s32 @p1 $0x1  }
0x15: {  	[smem:$0x3FA9] =	sst s0;
	s0 =	simm.s32 @!p2 $0x0  }
0x16: {  	s3 =	sld [smem:$0x3FDB];
	s0 =	simm.s32 @p2 $0x1  }
0x17: {  	s4 =	simm.s32 $0x1BF5;
	[smem:$0x3FAB] =	sst s0  }
0x18: {  	s0 =	sld [smem:$0x3F8E];
	_ =	swait.ge [sflag:s4], $0x0  }
0x19: {  	s7 =	sld [smem:$0x3F8F]  }
0x1a: {  	s8 =	sadd.s32 $0xFFFFE003, lr  }
0x1b: {  	s9 =	sadd.s32 $0xFFFFFEF7, lr;
	s5 =	simm.s32 $0xFFFFFFFF;
	p2 =	slt.u32 s8, $0xFFFFF086  }
0x1c: {  	p1 =	slt.u32 s9, $0xF7A;
	s5 =	simm.s32 @!p2 $0x0  }
0x1d: {  	s5 =	simm.s32 @p1 $0x1;
	p0 =	seq.s32 s7, s2  }
0x1e: {  	s7 =	smul.u32 @!p0 $0xF7A, s2;
	p2 =	seq.s32 @!p0 s5, $0x0  }
0x1f: {  	s9 =	smul.u32 $0xF7A, s1;
	s8 =	simm.s32 @!p0 $0x1BF5;
	p2 =	por !p2, p0  }
0x20: {  	[sflag:s8] =	ssyncset.s32 @!p0 $0xFFFFF086;
	s6 =	sadd.s32 @!p0 s3, s7;
	s7 =	simm.s32 @!p0 $0x108  }
0x21: {  	s3 =	sadd.s32 s3, s9;
	s6 =	sadd.s32 @!p0 $0x88, s6;
	s7 =	simm.s32 @p2 $0x1082  }
0x22: {  	[simem:s7], [sflag:s8] =	dma.local @!p0 [hbm:s6], $0xF7A  }
0x23: {  	s9 =	sor.u32 $0xD0000000, s2;
	s6 =	simm.s32 $0x108;
	_ =	swait.ge @!p0 [sflag:s8], $0x0  }
0x24: {  	s3 =	sadd.s32 $0x88, s3;
	s6 =	simm.s32 @!p1 $0x1082;
	[sflag:s4] =	ssyncset.s32 $0xFFFFF086  }
0x25: {  	[simem:s6], [sflag:s4] =	dma.local [hbm:s3], $0xF7A  }
0x26: {  	[smem:$0x3F8F] =	sst s1;
	(tag) =	ssettag s2;
	_ =	strace s9  }
0x27: {  	s1 =	sld [smem:$0x3F9F]  }
0x28: {  	s2 =	sld [smem:$0x3FA0]  }
0x29: {  	s4 =	sld [smem:$0x3FA2]  }
0x2a: {  	p0 =	seq.s32 s5, $0x0;
	s5 =	sld [smem:$0x3FA3]  }
0x2b: {  	s6 =	sld [smem:$0x3FA4]  }
0x2c: {  	s7 =	sld [smem:$0x3FA5]  }
0x2d: {  	s3 =	simm.s32 $0x108;
	s8 =	sld [smem:$0x3FA6]  }
0x2e: {  	s3 =	simm.s32 @!p0 $0x1082;
	s9 =	sld [smem:$0x3FA7]  }
0x2f: {  	lr =	sadd.s32 s0, s3;
	s0 =	sld [smem:$0x3F9E]  }
0x30: {  	s3 =	sld [smem:$0x3FA1]  }
0x31: {  	[smem:$0x3FAA] =	sst s10  }
0x32: {  	s10 =	sld [smem:$0x3FA8];
	_ =	sdelay $0x3  }
0x33: {  	p0 =	seq.s32 s10, $0x1;
	s10 =	sld [smem:$0x3FAA];
	_ =	sdelay $0x3  }
0x34: {  	[smem:$0x3FAA] =	sst s10  }
0x35: {  	s10 =	sld [smem:$0x3FA9];
	_ =	sdelay $0x3  }
0x36: {  	p1 =	seq.s32 s10, $0x1;
	s10 =	sld [smem:$0x3FAA];
	_ =	sdelay $0x3  }
0x37: {  	[smem:$0x3FAA] =	sst s10  }
0x38: {  	s10 =	sld [smem:$0x3FAB]  }
0x39: {  	_ = 	snop;
	(pc) =	sbr.ind lr, $3  }
0x3a: {  	_ = 	snop  }
0x3b: {  	_ = 	snop  }
0x3c: {  	p2 =	seq.s32 s10, $0x1;
	s10 =	sld [smem:$0x3FAA]  }
0x3d: {  	_ =	shalt  }
0x3e: {  	_ =	shalt  }
0x3f: {  	_ =	shalt  }
0x40: {  	_ =	shalt  }
0x41: {  	_ =	shalt  }
0x42: {  	_ =	shalt  }
0x43: {  	_ =	shalt  }
0x44: {  	_ =	shalt  }
0x45: {  	_ =	shalt  }
0x46: {  	_ =	shalt  }
0x47: {  	_ =	shalt  }
0x48: {  	_ =	shalt  }
0x49: {  	_ =	shalt  }
0x4a: {  	_ =	shalt  }
0x4b: {  	_ =	shalt  }
0x4c: {  	_ =	shalt  }
0x4d: {  	_ =	shalt  }
0x4e: {  	_ =	shalt  }
0x4f: {  	_ =	shalt  }
0x50: {  	_ =	shalt  }
0x51: {  	_ =	shalt  }
0x52: {  	_ =	shalt  }
0x53: {  	_ =	shalt  }
0x54: {  	_ =	shalt  }
0x55: {  	_ =	shalt  }
0x56: {  	_ =	shalt  }
0x57: {  	_ =	shalt  }
0x58: {  	_ =	shalt  }
0x59: {  	_ =	shalt  }
0x5a: {  	_ =	shalt  }
0x5b: {  	_ =	shalt  }
0x5c: {  	_ =	shalt  }
0x5d: {  	_ =	shalt  }
0x5e: {  	_ =	shalt  }
0x5f: {  	_ =	shalt  }
0x60: {  	_ =	shalt  }
0x61: {  	_ =	shalt  }
0x62: {  	_ =	shalt  }
0x63: {  	_ =	shalt  }
0x64: {  	_ =	shalt  }
0x65: {  	_ =	shalt  }
0x66: {  	_ =	shalt  }
0x67: {  	_ =	shalt  }
0x68: {  	_ =	shalt  }
0x69: {  	_ =	shalt  }
0x6a: {  	_ =	shalt  }
0x6b: {  	_ =	shalt  }
0x6c: {  	_ =	shalt  }
0x6d: {  	_ =	shalt  }
0x6e: {  	_ =	shalt  }
0x6f: {  	_ =	shalt  }
0x70: {  	_ =	shalt  }
0x71: {  	_ =	shalt  }
0x72: {  	_ =	shalt  }
0x73: {  	_ =	shalt  }
0x74: {  	_ =	shalt  }
0x75: {  	_ =	shalt  }
0x76: {  	_ =	shalt  }
0x77: {  	_ =	shalt  }
0x78: {  	_ =	shalt  }
0x79: {  	_ =	shalt  }
0x7a: {  	_ =	shalt  }
0x7b: {  	_ =	shalt  }
0x7c: {  	_ =	shalt  }
0x7d: {  	_ =	shalt  }
0x7e: {  	_ =	shalt  }
0x7f: {  	_ =	shalt  }
0x80: {  	_ =	shalt  }
0x81: {  	_ =	shalt  }
0x82: {  	_ =	shalt  }
0x83: {  	_ =	shalt  }
0x84: {  	_ =	shalt  }
0x85: {  	_ =	shalt  }
0x86: {  	_ =	shalt  }
0x87: {  	_ =	shalt  }
.Lfunc_end0:
.L_simem_size_0:
called_computation.3_lowered:
.L_overlay_start_0:
0x88: {  	s2 =	sld [smem:$0x3FD9]  }
0x89: {  	s3 =	sld [smem:$0x3FFE];
	_ =	sdelay $0x1  }
0x8a: {  	s1 =	srdreg.scid  }
0x8b: {  	s0 =	sand.u32 $0x1, s1  }
0x8c: {  	s16 =	sshll.u32 s0, $0xA;
	s2 =	sadd.s32 s3, s2  }
0x8d: {  	s2 =	sadd.s32 s2, s16  }
0x8e: {  	[smem:$0x3FB6] =	sst s2  }
0x8f: {  	_ = 	snop  }
0x90: {  	(tm) =	ssettm $0x1  }
0x91: {  	s17 =	sld [smem:$0x3FFB];
	_ =	sdelay $0x3  }
0x92: {  	_ =	strace s17  }
0x93: {  	s2 =	sld [smem:$0x3FFC];
	_ =	sdelay $0x3  }
0x94: {  	_ =	strace s2  }
0x95: {  	s2 =	sld [smem:$0x3FFD];
	_ =	sdelay $0x3  }
0x96: {  	_ =	strace s2  }
0x97: {  	_ =	strace $0x8FFFFFFF  }
0x98: {  	s18 =	sld [smem:$0x3FDB];
	_ =	sdelay $0x1  }
0x99: {  	s19 =	simm.s32 $_scs_section_size  }
0x9a: {  	s4 =	simm.s32 $_size__tile_overlayer_lowered;
	s5 =	simm.s32 $_tile_overlayer_lowered  }
0x9b: {  	s22 =	simm.s32 $0x1BFF;
	s21 =	sshll.u32 s5, $0x1;
	s2 =	sadd.s32 s19, s18  }
0x9c: {  	s6 =	simm.s32 $0x0;
	s20 =	sshll.u32 s4, $0x1;
	s4 =	sadd.s32 s21, s2  }
0x9d: {  	[timem:s6], [sflag:s22] =	dma.local [hbm:s4], s20  }
0x9e: {  	_ =	swait.ge [sflag:s22], s20  }
0x9f: {  	s3 =	ssub.s32 $0x0, s20;
	[sflag:s22] =	ssyncset.done $0x0  }
0xa0: {  	[sflag:s22] =	ssyncadd.s32 s3;
	_ =	sdelay $0x1  }
0xa1: {  	s23 =	simm.s32 $0x1B8B  }
0xa2: {  	_ =	swait.ge [sflag:s23], $0x1  }
0xa3: {  	[sflag:s23] =	ssyncset.done $0x0  }
0xa4: {  	s25 =	simm.s32 $0x1B8E;
	s24 =	sld [smem:$0x3FFE];
	[sflag:s23] =	ssyncadd.s32 $0xFFFFFFFF  }
0xa5: {  	s26 =	simm.s32 $execute0_lowered;
	[smem:$0x3FD2] =	sst s25  }
0xa6: {  	s4 =	sshll.u32 s26, $0x1;
	_ =	strace $0x8000004F;
	[dreg:$0x1] =	wrdreg $0xFFFFFFFF  }
0xa7: {  	s28 =	simm.s32 $_size_execute0_lowered;
	s2 =	sadd.s32 s2, s4;
	[dreg:$0x0] =	wrdreg $0x0  }
0xa8: {  	s4 =	sshll.u32 s28, $0x1;
	[dreg:$0x2] =	wrdreg s2  }
0xa9: {  	[dreg:$0x3] =	wrdreg s4  }
0xaa: {  	[dreg:$0x4] =	wrdreg $0xC0  }
0xab: {  	_ =	task [dreg:s6], $0x5FFFF  }
0xac: {  	[dreg:$0x1] =	wrdreg $0xFFFFFFFF  }
0xad: {  	[dreg:$0x0] =	wrdreg $0x60  }
0xae: {  	[dreg:$0x2] =	wrdreg s24  }
0xaf: {  	[dreg:$0x3] =	wrdreg $0x38000  }
0xb0: {  	[dreg:$0x4] =	wrdreg $0x9  }
0xb1: {  	_ =	task.clear_ibuf [dreg:s6], $0x5FFFF;
	_ =	strace $0x9000004F  }
0xb2: {  	s29 =	simm.s32 $0x9;
	_ =	strace $0x80000051  }
0xb3: {  	_ =	swait.ge [sflag:s29], $0x1  }
0xb4: {  	[sflag:s29] =	ssyncadd.s32 $0xFFFFFFFF  }
0xb5: {  	_ =	strace $0x90000051  }
0xb6: {  	_ =	sfence  }
0xb7: {  	s30 =	sld [smem:$0x0];
	_ =	sdelay $0x2  }
0xb8: {  	s31 =	sshll.u32 s1, $0xD;
	s1 =	sshrl.u32 s1, $0x2  }
0xb9: {  	s3 =	sand.u32 $0x4000, s31;
	s1 =	sadd.s32 s1, s30  }
0xba: {  	s0 =	sor.u32 s3, s0;
	s1 =	sshll.u32 s1, $0x11  }
0xbb: {  	s0 =	sor.u32 s1, s0  }
0xbc: {  	s0 =	sadd.s32 $0x8F2B, s0  }
0xbd: {  	[sflag:s0] =	ssyncadd.remote.s32 $0x1  }
0xbe: {  	_ =	sfence.sel $0xFFFF  }
0xbf: {  	[dreg:$0x0] =	wrdreg $0xFFFFFFFF;
	(pc) =	sbr.abs _section_cstart, $3  }
0xc0: {  	[dreg:$0x1] =	wrdreg $0xFFFFFFFF  }
0xc1: {  	_ =	task.clear_ibuf [dreg:s6], $0x2FFFF;
	_ =	strace $0x9FFFFFFF  }
0xc2: {  	(tm) =	ssettm $0x7FFFFFFF  }
0xc3: {  	_ =	shalt  }
tec
execute0_lowered:
.L_overlay_start_1:
0x0: {  	(tag) =	ssettag $0x1  }
0x1: {  	s6 =	rddreg [dreg:$0x0]  }
0x2: {  	s2 =	rddreg [dreg:$0x1]  }
0x3: {  	s0 =	rddreg [dreg:$0x2];
	s3 =	simm.s32 $0x0;
	s1 =	stileid.u32  }
0x4: {  	s4 =	srdreg.scid;
	s15 =	simm.s32 $0x1000;
	s16 =	simm.s32 $0x50  }
0x5: {  	s17 =	simm.s32 $0x1;
	s18 =	simm.s32 $0x0;
	[smem:$0x7FF] =	sst s3  }
0x6: {  	s7 =	smul.u32 $0x14000, s1;
	s8 =	sand.u32 $0x1, s4;
	s4 =	sadd.s32 $0xF9E800, s6  }
0x7: {  	s5 =	sadd.s32 $0xD0800, s6;
	s12 =	smul.u32 $0x50000, s1;
	s25 =	sshll.u32 s1, $0x1  }
0x8: {  	s29 =	smul.u32 $0x4E200, s1;
	s31 =	sshll.u32 s1, $0x6;
	_ =	strace $0x80000050  }
0x9: {  	s9 =	smul.u32 $0x140000, s8;
	s24 =	ssub.s32 $0x2, s8;
	s26 =	sor.u32 s8, s25  }
0xa: {  	s30 =	smul.u32 $0x27100, s8;
	s8 =	sor.u32 $0x1C02, s31;
	s10 =	sshrl.u32 s7, $0x3  }
0xb: {  	s11 =	sshrl.u32 s24, $0x1;
	s28 =	sshrl.u32 s12, $0x2;
	s12 =	sadd.s32 s29, s4  }
0xc: {  	s10 =	sadd.s32 s10, s6;
	s7 =	sadd.s32 s7, s9;
	s11 =	ssub.s32 s24, s11  }
0xd: {  	s14 =	sadd.s32 s28, s2;
	s9 =	smul.u32 $0x5000, s26;
	s12 =	sadd.s32 s30, s12  }
0xe: {  	s7 =	sshrl.u32 s7, $0x3;
	s11 =	smax.u32 s11, $0x1;
	s12 =	sadd.s32 $0x500, s12  }
0xf: {  	s13 =	sadd.s32 s7, s6;
	s6 =	sadd.s32 $0x33800, s10;
	s7 =	smul.u32 $0x7D, s26  }
0x10: {  	s10 =	sadd.s32 $0x5B800, s13;
	s13 =	sshrl.u32 s14, $0x3;
	s14 =	simm.s32 $0x2  }
.LBB2_1:
0x11: {  	[spmem:s13], [sflag:s8] =	dma.local [hbm:s6], $0x2800  }
0x12: {  	_ =	swait.ge [sflag:s14], $0x2800  }
0x13: {  	[sflag:s14] =	ssyncset.done $0x0  }
0x14: {  	[sflag:s14] =	ssyncadd.s32 $0xFFFFD800  }
0x15: {  	s19 =	smov.u32 s12;
	s20 =	simm.s32 $0x0;
	[bflag:$0x0] =	sbarrier.arrive $0xFFFF  }
.LBB2_2:
0x16: {  	p0 =	seq.s32 s20, $0x0  }
0x17: {  	s22 =	sshll.u32 s20, $0xC;
	s21 =	simm.s32 @!p0 $0x1  }
0x18: {  	s23 =	smul.u32 $0x19, s20;
	s22 =	sadd.s32 s9, s22;
	_ =	swait.ge @!p0 [sflag:s21], $0x2800  }
0x19: {  	s22 =	sshrl.u32 s22, $0x3;
	[sflag:s21] =	ssyncset.done @!p0 $0x0  }
0x1a: {  	s23 =	sadd.s32 s7, s23;
	s30 =	sadd.s32 s5, s22;
	[sflag:s21] =	ssyncadd.s32 @!p0 $0xFFFFD800  }
0x1b: {  	[tilespmem:s3], [sflag:$0x2] =	stream.linear.gather [hbm4b:s30+s3], $0x1000, $0x38;
	[tilespmem:$0x17800] =	vst v63  }
0x1c: {  	s31 =	smul.u32 $0x500, s23;
	_ =	swait.ge [sflag:s14], $0x1000  }
0x1d: {  	[sflag:s14] =	ssyncset.done $0x0  }
0x1e: {  	s21 =	sadd.s32 s4, s31;
	[sflag:s14] =	ssyncadd.s32 $0xFFFFF000  }
0x1f: {  	[tilespmem:s15], [sflag:$0x2] =	stream.linear.gather [hbm4b:s21+s3], $0x2800, $0x38;
	[tilespmem:$0x17800] =	vst v63  }
0x20: {  	_ =	swait.ge [sflag:s14], $0x2800  }
0x21: {  	[sflag:s14] =	ssyncset.done $0x0  }
0x22: {  	[sflag:s14] =	ssyncadd.s32 $0xFFFFD800  }
0x23: {  	[spmem:s2] =	stream.indirect.scatter.add.f32 [tilespmem:s15], [sflag:$0x1], $0x80, s3, s16, $0xb8;
	[tilespmem:$0x17800] =	vst v63  }
0x24: {  	_ =	swait.ge [sflag:s17], $0x2800  }
0x25: {  	[sflag:s17] =	ssyncset.done $0x0  }
0x26: {  	[sflag:s17] =	ssyncadd.s32 $0xFFFFD800  }
0x27: {  	[tilespmem:s15], [sflag:$0x2] =	stream.linear.gather [hbm4b:s19+s3], $0x2800, $0x38;
	[tilespmem:$0x17800] =	vst v63  }
0x28: {  	_ =	swait.ge [sflag:s14], $0x2800  }
0x29: {  	s23 =	simm.s32 $0x80;
	[sflag:s14] =	ssyncset.done $0x0  }
0x2a: {  	s22 =	sadd.s32 $0x500, s19;
	s21 =	simm.s32 $0x400;
	[sflag:s14] =	ssyncadd.s32 $0xFFFFD800  }
.LBB2_3:
0x2b: {  	[spmem:s2] =	stream.indirect.scatter.add.f32 [tilespmem:s15], [sflag:$0x1], $0x80, s23, s16, $0xb8;
	[tilespmem:$0x17800] =	vst v63  }
0x2c: {  	s23 =	smov.u32 s21  }
0x2d: {  	p0 =	sne.s32 s21, $0x3000;
	s21 =	sadd.s32 $0x200, s21;
	_ =	swait.ge [sflag:s17], $0x2800  }
0x2e: {  	[sflag:s17] =	ssyncset.done $0x0  }
.Ltmp0:
0x2f: {  	[sflag:s17] =	ssyncadd.s32 $0xFFFFD800;
	(pc) =	sbr.rel @p0 .LBB2_3-.Ltmp0, $4  }
0x30: {  	[tilespmem:s15], [sflag:$0x2] =	stream.linear.gather [hbm4b:s22+s3], $0x2800, $0x38;
	[tilespmem:$0x17800] =	vst v63  }
0x31: {  	_ =	swait.ge [sflag:s14], $0x2800  }
0x32: {  	[sflag:s14] =	ssyncset.done $0x0  }
0x33: {  	s23 =	sshra.s32 s23, $0x2;
	s22 =	sadd.s32 $0x500, s22;
	[sflag:s14] =	ssyncadd.s32 $0xFFFFD800  }
0x34: {  	s20 =	sadd.s32 $0x1, s20  }
0x35: {  	p0 =	sne.s32 s20, $0x5  }
.Ltmp1:
0x36: {  	_ = 	snop;
	(pc) =	sbr.rel @p0 .LBB2_2-.Ltmp1, $3  }
0x37: {  	_ =	sdelay $0x1  }
0x38: {  	[spmem:s2] =	stream.indirect.scatter.add.f32 [tilespmem:s15], [sflag:$0x1], $0x80, s23, s16, $0xb8;
	[tilespmem:$0x17800] =	vst v63  }
0x39: {  	s19 =	sadd.s32 $0x7D00, s19  }
0x3a: {  	_ =	swait.ge [sflag:s17], $0x2800  }
0x3b: {  	s18 =	sadd.s32 $0x1, s18;
	[sflag:s17] =	ssyncset.done $0x0  }
0x3c: {  	p0 =	sne.s32 s18, s11;
	[sflag:s17] =	ssyncadd.s32 $0xFFFFD800  }
.Ltmp2:
0x3d: {  	[bflag:$0x0] =	sbarrier.arrive $0xFFFF;
	(pc) =	sbr.rel @p0 .LBB2_1-.Ltmp2, $4  }
0x3e: {  	[hbm:s10], [sflag:s8] =	dma.local [spmem:s13], $0x2800  }
0x3f: {  	_ =	swait.ge [sflag:s14], $0x2800  }
0x40: {  	[sflag:s14] =	ssyncset.done $0x0  }
0x41: {  	[sflag:s14] =	ssyncadd.s32 $0xFFFFD800  }
0x42: {  	_ =	sfence.sel $0x180000  }
0x43: {  	[bflag:$0x0] =	sbarrier.arrive $0xFFFF  }
0x44: {  	p0 =	sne.s32 s1, $0x0;
	_ =	strace $0x90000050  }
0x45: {  	s0 =	sadd.s32 @!p0 $0x100000, s0;
	[bflag:$0x2] =	sbarrier.arrive $0xFFFF  }
0x46: {  	[sflag:s0] =	ssyncadd.tile.s32 @!p0 $0x1;
	_ =	shalt  }
.Lfunc_end2:
_tile_overlayer_lowered:
.L_overlay_start_2:
0x47: {  	(tag) =	ssettag $0x2  }
0x48: {  	s0 =	rddreg [dreg:$0x0];
	s2 =	stileid.u32  }
0x49: {  	s1 =	rddreg [dreg:$0x1];
	p0 =	sne.s32 s2, $0x0  }
0x4a: {  	s3 =	rddreg [dreg:$0x2];
	[bflag:$0x3] =	sbarrier.arrive $0xFFFF;
	s2 =	simm.s32 @!p0 $0x1C02  }
0x4b: {  	[timem:s3], [sflag:s2] =	dma.local @!p0 [hbm:s0], s1  }
0x4c: {  	s0 =	simm.s32 @!p0 $0x2  }
0x4d: {  	_ =	swait.ge @!p0 [sflag:s0], s1  }
0x4e: {  	s1 =	ssub.s32 @!p0 $0x0, s1;
	[sflag:s0] =	ssyncset.done @!p0 $0x0  }
0x4f: {  	[sflag:s0] =	ssyncadd.s32 @!p0 s1  }
0x50: {  	[bflag:$0x3] =	sbarrier.arrive $0xFFFF  }
0x51: {  	_ =	shalt  }

</sc_bundles>
